<compile_context>
chip_gen: v7x
topology: tpu7x:2x2x1
jax: 0.10.2.dev20260603
libtpu: 0.0.44.dev20260713+nightly
codegen_flags: <defaults>
</compile_context>

<pallas_src>
import dataclasses

import jax
import jax.numpy as jnp
from jax import lax
from jax.experimental import pallas as pl
from jax.experimental.pallas import tpu as pltpu
from jax.experimental.pallas import tpu_sc as plsc

NUM_CLASSES = 1000
B0 = 4096
B1 = 20
N_WORKERS = 32
ROWS_PER_W = B0 // N_WORKERS
IDX_PER_W = ROWS_PER_W * B1
CH_D0 = 2
N_BUF = 2
N_CHUNKS = ROWS_PER_W // CH_D0
CH_LOGICAL = CH_D0 * B1
N_GROUPS = (CH_LOGICAL + 15) // 16


def _sc_kernel(idx_hbm, out_hbm, buf, idx_v, sems):
    cid = lax.axis_index("c")
    sid = lax.axis_index("s")
    wid = sid * 2 + cid

    iota = lax.iota(jnp.int32, 16)
    zeros16 = jnp.zeros((16,), jnp.float32)
    ones16 = jnp.ones((16,), jnp.float32)

    pltpu.sync_copy(idx_hbm.at[pl.ds(wid * IDX_PER_W, IDX_PER_W)], idx_v)

    def zero_row(r, carry):
        b = r // (CH_D0 * B1)
        a0 = lax.rem(r, CH_D0 * B1) // B1
        a1 = lax.rem(r, B1)
        for k in range(62):
            buf[b, a0, a1, pl.ds(k * 16, 16)] = zeros16
        buf[b, a0, a1, pl.ds(NUM_CLASSES - 16, 16)] = zeros16
        return carry

    lax.fori_loop(0, N_BUF * CH_LOGICAL, zero_row, 0)

    def scatter_chunk(b, c, value16):
        for k in range(N_GROUPS):
            g = iota + k * 16
            mask = g < CH_LOGICAL
            i0 = g // B1
            i1 = lax.rem(g, B1)
            i2 = idx_v[pl.ds(c * CH_LOGICAL + k * 16, 16)]
            plsc.store_scatter(buf.at[b], [i0, i1, i2], value16, mask=mask)

    def chunk_dma(b, c):
        d0 = wid * ROWS_PER_W + c * CH_D0
        return pltpu.make_async_copy(
            buf.at[b], out_hbm.at[pl.ds(d0, CH_D0)], sems.at[b])

    def chunk_body(c, carry):
        b = lax.rem(c, N_BUF)

        @pl.when(c >= N_BUF)
        def _reclaim():
            chunk_dma(b, c - N_BUF).wait()
            scatter_chunk(b, c - N_BUF, zeros16)

        scatter_chunk(b, c, ones16)
        chunk_dma(b, c).start()
        return carry

    lax.fori_loop(0, N_CHUNKS, chunk_body, 0)
    for j in range(N_BUF):
        c = N_CHUNKS - N_BUF + j
        chunk_dma(c % N_BUF, c).wait()


def kernel(inputs):
    idx = inputs.reshape(-1).astype(jnp.int32)
    mesh = plsc.VectorSubcoreMesh(core_axis_name="c", subcore_axis_name="s")
    cp = pltpu.CompilerParams()
    if "needs_layout_passes" in pltpu.CompilerParams.__dataclass_fields__:
        cp = dataclasses.replace(cp, needs_layout_passes=False)
    run = pl.kernel(
        _sc_kernel,
        mesh=mesh,
        compiler_params=cp,
        out_type=jax.ShapeDtypeStruct((B0, B1, NUM_CLASSES), jnp.float32),
        scratch_types=[
            pltpu.VMEM((N_BUF, CH_D0, B1, NUM_CLASSES), jnp.float32),
            pltpu.VMEM((IDX_PER_W,), jnp.int32),
            pltpu.SemaphoreType.DMA((N_BUF,)),
        ],
    )
    return run(idx)

# --- scband reference (transcript-rebuilt; emitter-appended) ---
"""Pipeline reference for scband-one-hot-representation-61624190763400 (READ-ONLY COPY).

The authoritative reference and input builder live on the scoring server;
editing this copy changes nothing except your own understanding.
"""

import jax, jax.numpy as jnp
import numpy as np

NUM_CLASSES = 1000

def setup_inputs(seed: int = 0) -> dict:
    key = jax.random.key(seed)
    inputs = jax.random.randint(key, (4096, 20), 0, NUM_CLASSES, dtype=jnp.int64)
    return {"inputs": inputs}

def reference(inputs) -> jnp.ndarray:
    # Faithful translation of F.one_hot(inputs, num_classes).float()
    return jax.nn.one_hot(inputs, NUM_CLASSES, dtype=jnp.float32)

if __name__ == "__main__":
    import jax
    _d = setup_inputs()
    print(jax.jit(kernel)(*tuple(_d.values())))

</pallas_src>

<mosaic_0001>
#map = affine_map<(d0, d1) -> (0)>
#map1 = affine_map<(d0, d1) -> (0, 0, 0)>
module attributes {stable_mosaic.version = 14 : i64} {
  func.func @_sc_kernel(%arg0: i32, %arg1: i32, %arg2: memref<81920xi32, #tpu.memory_space<hbm>>, %arg3: memref<4096x20x1000xf32, #tpu.memory_space<hbm>>, %arg4: memref<2x2x20x1000xf32, #tpu.memory_space<vmem>>, %arg5: memref<2560xi32, #tpu.memory_space<vmem>>, %arg6: memref<2x!tpu.dma_semaphore, #tpu.memory_space<semaphore_mem>>) attributes {dimension_semantics = [#tpu.dimension_semantics<core_parallel>, #tpu.dimension_semantics<subcore_parallel>], iteration_bounds = array<i64: 2, 16>, scalar_prefetch = 0 : i64, scratch_operands = 3 : i64, tpu.core_type = #tpu.core_type<sc_vector_subcore>, window_params = [{transform_indices = #map}, {transform_indices = #map1}]} {
    %mul3A = arith.constant 2 : i32
    %mul3A_0 = arith.muli %arg1, %mul3A : i32
    %add3A = arith.addi %mul3A_0, %arg0 : i32
    %iota3A = tpu.iota {dimensions = array<i32: 0>} : vector<16xi32>
    %broadcast_in_dim3A = arith.constant 0.000000e+00 : f32
    %broadcast_in_dim3A_1 = vector.broadcast %broadcast_in_dim3A : f32 to vector<16xf32>
    %broadcast_in_dim3A_2 = arith.constant 1.000000e+00 : f32
    %broadcast_in_dim3A_3 = vector.broadcast %broadcast_in_dim3A_2 : f32 to vector<16xf32>
    %mul3A_4 = arith.constant 2560 : i32
    %mul3A_5 = arith.muli %add3A, %mul3A_4 : i32
    "tpu.region"() ({
      %run_scoped3A = tpu.sem_alloc : memref<!tpu.dma_semaphore, #tpu.memory_space<semaphore_mem>>
      %dma_start3A = tpu.memref_slice %arg2[%mul3A_5] : memref<81920xi32, #tpu.memory_space<hbm>> -> memref<2560xi32, #tpu.memory_space<hbm>>
      %dma_start3A_64 = tpu.memref_slice %arg2[%mul3A_5] : memref<81920xi32, #tpu.memory_space<hbm>> -> memref<2560xi32, #tpu.memory_space<hbm>>
      tpu.enqueue_dma source(%dma_start3A_64 : memref<2560xi32, #tpu.memory_space<hbm>>) target(%arg5 : memref<2560xi32, #tpu.memory_space<vmem>>) target_semaphore(%run_scoped3A : memref<!tpu.dma_semaphore, #tpu.memory_space<semaphore_mem>>)
      %dma_wait3A_65 = tpu.memref_slice %arg2[%mul3A_5] : memref<81920xi32, #tpu.memory_space<hbm>> -> memref<2560xi32, #tpu.memory_space<hbm>>
      %dma_wait3A_66 = tpu.memref_slice %arg2[%mul3A_5] : memref<81920xi32, #tpu.memory_space<hbm>> -> memref<2560xi32, #tpu.memory_space<hbm>>
      tpu.wait_dma2 semaphore(%run_scoped3A : memref<!tpu.dma_semaphore, #tpu.memory_space<semaphore_mem>>) src(%dma_wait3A_66 : memref<2560xi32, #tpu.memory_space<hbm>>) dst(%arg5 : memref<2560xi32, #tpu.memory_space<vmem>>)
      tpu.yield
    }) : () -> ()
    %scan3A = arith.constant 0 : i32
    %scan3A_6 = arith.constant 0 : i32
    %scan3A_7 = arith.constant 80 : i32
    %scan3A_8 = arith.addi %scan3A_6, %scan3A_7 : i32
    %scan3A_9 = arith.constant 1 : i32
    scf.for %scan3A_64 = %scan3A_6 to %scan3A_8 step %scan3A_9  : i32 {
      %jit3A = arith.constant 40 : i32
      %div3A = arith.divsi %scan3A_64, %jit3A : i32
      %sign3A = arith.constant 0 : i32
      %sign3A_65 = arith.cmpi sgt, %scan3A_64, %sign3A : i32
      %sign3A_66 = arith.extui %sign3A_65 : i1 to i32
      %sign3A_67 = arith.constant 0 : i32
      %sign3A_68 = arith.cmpi slt, %scan3A_64, %sign3A_67 : i32
      %sign3A_69 = arith.extui %sign3A_68 : i1 to i32
      %sign3A_70 = arith.subi %sign3A_66, %sign3A_69 : i32
      %sign3A_71 = arith.constant 0 : i32
      %sign3A_72 = arith.cmpi sgt, %jit3A, %sign3A_71 : i32
      %sign3A_73 = arith.extui %sign3A_72 : i1 to i32
      %sign3A_74 = arith.constant 0 : i32
      %sign3A_75 = arith.cmpi slt, %jit3A, %sign3A_74 : i32
      %sign3A_76 = arith.extui %sign3A_75 : i1 to i32
      %sign3A_77 = arith.subi %sign3A_73, %sign3A_76 : i32
      %ne3A = arith.cmpi ne, %sign3A_70, %sign3A_77 : i32
      %rem3A = arith.remsi %scan3A_64, %jit3A : i32
      %ne3A_78 = arith.constant 0 : i32
      %ne3A_79 = arith.cmpi ne, %rem3A, %ne3A_78 : i32
      %and3A = arith.andi %ne3A, %ne3A_79 : i1
      %sub3A = arith.constant 1 : i32
      %sub3A_80 = arith.subi %div3A, %sub3A : i32
      %select_n3A = arith.select %and3A, %sub3A_80, %div3A : i32
      %rem3A_81 = arith.constant 40 : i32
      %rem3A_82 = arith.remsi %scan3A_64, %rem3A_81 : i32
      %jit3A_83 = arith.constant 20 : i32
      %div3A_84 = arith.divsi %rem3A_82, %jit3A_83 : i32
      %sign3A_85 = arith.constant 0 : i32
      %sign3A_86 = arith.cmpi sgt, %rem3A_82, %sign3A_85 : i32
      %sign3A_87 = arith.extui %sign3A_86 : i1 to i32
      %sign3A_88 = arith.constant 0 : i32
      %sign3A_89 = arith.cmpi slt, %rem3A_82, %sign3A_88 : i32
      %sign3A_90 = arith.extui %sign3A_89 : i1 to i32
      %sign3A_91 = arith.subi %sign3A_87, %sign3A_90 : i32
      %sign3A_92 = arith.constant 0 : i32
      %sign3A_93 = arith.cmpi sgt, %jit3A_83, %sign3A_92 : i32
      %sign3A_94 = arith.extui %sign3A_93 : i1 to i32
      %sign3A_95 = arith.constant 0 : i32
      %sign3A_96 = arith.cmpi slt, %jit3A_83, %sign3A_95 : i32
      %sign3A_97 = arith.extui %sign3A_96 : i1 to i32
      %sign3A_98 = arith.subi %sign3A_94, %sign3A_97 : i32
      %ne3A_99 = arith.cmpi ne, %sign3A_91, %sign3A_98 : i32
      %rem3A_100 = arith.remsi %rem3A_82, %jit3A_83 : i32
      %ne3A_101 = arith.constant 0 : i32
      %ne3A_102 = arith.cmpi ne, %rem3A_100, %ne3A_101 : i32
      %and3A_103 = arith.andi %ne3A_99, %ne3A_102 : i1
      %sub3A_104 = arith.constant 1 : i32
      %sub3A_105 = arith.subi %div3A_84, %sub3A_104 : i32
      %select_n3A_106 = arith.select %and3A_103, %sub3A_105, %div3A_84 : i32
      %rem3A_107 = arith.constant 20 : i32
      %rem3A_108 = arith.remsi %scan3A_64, %rem3A_107 : i32
      %swap3A = arith.index_cast %select_n3A : i32 to index
      %swap3A_109 = arith.index_cast %select_n3A_106 : i32 to index
      %swap3A_110 = arith.index_cast %rem3A_108 : i32 to index
      %swap3A_111 = arith.constant 0 : index
      %swap3A_112 = tpu.vector_load %arg4[%swap3A, %swap3A_109, %swap3A_110, %swap3A_111] {strides = array<i32>} : memref<2x2x20x1000xf32, #tpu.memory_space<vmem>>, vector<16xf32>,
      tpu.vector_store %arg4[%swap3A, %swap3A_109, %swap3A_110, %swap3A_111], %broadcast_in_dim3A_1 {strides = array<i32>} : memref<2x2x20x1000xf32, #tpu.memory_space<vmem>>, vector<16xf32>,
      %swap3A_113 = arith.index_cast %select_n3A : i32 to index
      %swap3A_114 = arith.index_cast %select_n3A_106 : i32 to index
      %swap3A_115 = arith.index_cast %rem3A_108 : i32 to index
      %swap3A_116 = arith.constant 16 : index
      %swap3A_117 = tpu.vector_load %arg4[%swap3A_113, %swap3A_114, %swap3A_115, %swap3A_116] {strides = array<i32>} : memref<2x2x20x1000xf32, #tpu.memory_space<vmem>>, vector<16xf32>,
      tpu.vector_store %arg4[%swap3A_113, %swap3A_114, %swap3A_115, %swap3A_116], %broadcast_in_dim3A_1 {strides = array<i32>} : memref<2x2x20x1000xf32, #tpu.memory_space<vmem>>, vector<16xf32>,
      %swap3A_118 = arith.index_cast %select_n3A : i32 to index
      %swap3A_119 = arith.index_cast %select_n3A_106 : i32 to index
      %swap3A_120 = arith.index_cast %rem3A_108 : i32 to index
      %swap3A_121 = arith.constant 32 : index
      %swap3A_122 = tpu.vector_load %arg4[%swap3A_118, %swap3A_119, %swap3A_120, %swap3A_121] {strides = array<i32>} : memref<2x2x20x1000xf32, #tpu.memory_space<vmem>>, vector<16xf32>,
      tpu.vector_store %arg4[%swap3A_118, %swap3A_119, %swap3A_120, %swap3A_121], %broadcast_in_dim3A_1 {strides = array<i32>} : memref<2x2x20x1000xf32, #tpu.memory_space<vmem>>, vector<16xf32>,
      %swap3A_123 = arith.index_cast %select_n3A : i32 to index
      %swap3A_124 = arith.index_cast %select_n3A_106 : i32 to index
      %swap3A_125 = arith.index_cast %rem3A_108 : i32 to index
      %swap3A_126 = arith.constant 48 : index
      %swap3A_127 = tpu.vector_load %arg4[%swap3A_123, %swap3A_124, %swap3A_125, %swap3A_126] {strides = array<i32>} : memref<2x2x20x1000xf32, #tpu.memory_space<vmem>>, vector<16xf32>,
      tpu.vector_store %arg4[%swap3A_123, %swap3A_124, %swap3A_125, %swap3A_126], %broadcast_in_dim3A_1 {strides = array<i32>} : memref<2x2x20x1000xf32, #tpu.memory_space<vmem>>, vector<16xf32>,
      %swap3A_128 = arith.index_cast %select_n3A : i32 to index
      %swap3A_129 = arith.index_cast %select_n3A_106 : i32 to index
      %swap3A_130 = arith.index_cast %rem3A_108 : i32 to index
      %swap3A_131 = arith.constant 64 : index
      %swap3A_132 = tpu.vector_load %arg4[%swap3A_128, %swap3A_129, %swap3A_130, %swap3A_131] {strides = array<i32>} : memref<2x2x20x1000xf32, #tpu.memory_space<vmem>>, vector<16xf32>,
      tpu.vector_store %arg4[%swap3A_128, %swap3A_129, %swap3A_130, %swap3A_131], %broadcast_in_dim3A_1 {strides = array<i32>} : memref<2x2x20x1000xf32, #tpu.memory_space<vmem>>, vector<16xf32>,
      %swap3A_133 = arith.index_cast %select_n3A : i32 to index
      %swap3A_134 = arith.index_cast %select_n3A_106 : i32 to index
      %swap3A_135 = arith.index_cast %rem3A_108 : i32 to index
      %swap3A_136 = arith.constant 80 : index
      %swap3A_137 = tpu.vector_load %arg4[%swap3A_133, %swap3A_134, %swap3A_135, %swap3A_136] {strides = array<i32>} : memref<2x2x20x1000xf32, #tpu.memory_space<vmem>>, vector<16xf32>,
      tpu.vector_store %arg4[%swap3A_133, %swap3A_134, %swap3A_135, %swap3A_136], %broadcast_in_dim3A_1 {strides = array<i32>} : memref<2x2x20x1000xf32, #tpu.memory_space<vmem>>, vector<16xf32>,
      %swap3A_138 = arith.index_cast %select_n3A : i32 to index
      %swap3A_139 = arith.index_cast %select_n3A_106 : i32 to index
      %swap3A_140 = arith.index_cast %rem3A_108 : i32 to index
      %swap3A_141 = arith.constant 96 : index
      %swap3A_142 = tpu.vector_load %arg4[%swap3A_138, %swap3A_139, %swap3A_140, %swap3A_141] {strides = array<i32>} : memref<2x2x20x1000xf32, #tpu.memory_space<vmem>>, vector<16xf32>,
      tpu.vector_store %arg4[%swap3A_138, %swap3A_139, %swap3A_140, %swap3A_141], %broadcast_in_dim3A_1 {strides = array<i32>} : memref<2x2x20x1000xf32, #tpu.memory_space<vmem>>, vector<16xf32>,
      %swap3A_143 = arith.index_cast %select_n3A : i32 to index
      %swap3A_144 = arith.index_cast %select_n3A_106 : i32 to index
      %swap3A_145 = arith.index_cast %rem3A_108 : i32 to index
      %swap3A_146 = arith.constant 112 : index
      %swap3A_147 = tpu.vector_load %arg4[%swap3A_143, %swap3A_144, %swap3A_145, %swap3A_146] {strides = array<i32>} : memref<2x2x20x1000xf32, #tpu.memory_space<vmem>>, vector<16xf32>,
      tpu.vector_store %arg4[%swap3A_143, %swap3A_144, %swap3A_145, %swap3A_146], %broadcast_in_dim3A_1 {strides = array<i32>} : memref<2x2x20x1000xf32, #tpu.memory_space<vmem>>, vector<16xf32>,
      %swap3A_148 = arith.index_cast %select_n3A : i32 to index
      %swap3A_149 = arith.index_cast %select_n3A_106 : i32 to index
      %swap3A_150 = arith.index_cast %rem3A_108 : i32 to index
      %swap3A_151 = arith.constant 128 : index
      %swap3A_152 = tpu.vector_load %arg4[%swap3A_148, %swap3A_149, %swap3A_150, %swap3A_151] {strides = array<i32>} : memref<2x2x20x1000xf32, #tpu.memory_space<vmem>>, vector<16xf32>,
      tpu.vector_store %arg4[%swap3A_148, %swap3A_149, %swap3A_150, %swap3A_151], %broadcast_in_dim3A_1 {strides = array<i32>} : memref<2x2x20x1000xf32, #tpu.memory_space<vmem>>, vector<16xf32>,
      %swap3A_153 = arith.index_cast %select_n3A : i32 to index
      %swap3A_154 = arith.index_cast %select_n3A_106 : i32 to index
      %swap3A_155 = arith.index_cast %rem3A_108 : i32 to index
      %swap3A_156 = arith.constant 144 : index
      %swap3A_157 = tpu.vector_load %arg4[%swap3A_153, %swap3A_154, %swap3A_155, %swap3A_156] {strides = array<i32>} : memref<2x2x20x1000xf32, #tpu.memory_space<vmem>>, vector<16xf32>,
      tpu.vector_store %arg4[%swap3A_153, %swap3A_154, %swap3A_155, %swap3A_156], %broadcast_in_dim3A_1 {strides = array<i32>} : memref<2x2x20x1000xf32, #tpu.memory_space<vmem>>, vector<16xf32>,
      %swap3A_158 = arith.index_cast %select_n3A : i32 to index
      %swap3A_159 = arith.index_cast %select_n3A_106 : i32 to index
      %swap3A_160 = arith.index_cast %rem3A_108 : i32 to index
      %swap3A_161 = arith.constant 160 : index
      %swap3A_162 = tpu.vector_load %arg4[%swap3A_158, %swap3A_159, %swap3A_160, %swap3A_161] {strides = array<i32>} : memref<2x2x20x1000xf32, #tpu.memory_space<vmem>>, vector<16xf32>,
      tpu.vector_store %arg4[%swap3A_158, %swap3A_159, %swap3A_160, %swap3A_161], %broadcast_in_dim3A_1 {strides = array<i32>} : memref<2x2x20x1000xf32, #tpu.memory_space<vmem>>, vector<16xf32>,
      %swap3A_163 = arith.index_cast %select_n3A : i32 to index
      %swap3A_164 = arith.index_cast %select_n3A_106 : i32 to index
      %swap3A_165 = arith.index_cast %rem3A_108 : i32 to index
      %swap3A_166 = arith.constant 176 : index
      %swap3A_167 = tpu.vector_load %arg4[%swap3A_163, %swap3A_164, %swap3A_165, %swap3A_166] {strides = array<i32>} : memref<2x2x20x1000xf32, #tpu.memory_space<vmem>>, vector<16xf32>,
      tpu.vector_store %arg4[%swap3A_163, %swap3A_164, %swap3A_165, %swap3A_166], %broadcast_in_dim3A_1 {strides = array<i32>} : memref<2x2x20x1000xf32, #tpu.memory_space<vmem>>, vector<16xf32>,
      %swap3A_168 = arith.index_cast %select_n3A : i32 to index
      %swap3A_169 = arith.index_cast %select_n3A_106 : i32 to index
      %swap3A_170 = arith.index_cast %rem3A_108 : i32 to index
      %swap3A_171 = arith.constant 192 : index
      %swap3A_172 = tpu.vector_load %arg4[%swap3A_168, %swap3A_169, %swap3A_170, %swap3A_171] {strides = array<i32>} : memref<2x2x20x1000xf32, #tpu.memory_space<vmem>>, vector<16xf32>,
      tpu.vector_store %arg4[%swap3A_168, %swap3A_169, %swap3A_170, %swap3A_171], %broadcast_in_dim3A_1 {strides = array<i32>} : memref<2x2x20x1000xf32, #tpu.memory_space<vmem>>, vector<16xf32>,
      %swap3A_173 = arith.index_cast %select_n3A : i32 to index
      %swap3A_174 = arith.index_cast %select_n3A_106 : i32 to index
      %swap3A_175 = arith.index_cast %rem3A_108 : i32 to index
      %swap3A_176 = arith.constant 208 : index
      %swap3A_177 = tpu.vector_load %arg4[%swap3A_173, %swap3A_174, %swap3A_175, %swap3A_176] {strides = array<i32>} : memref<2x2x20x1000xf32, #tpu.memory_space<vmem>>, vector<16xf32>,
      tpu.vector_store %arg4[%swap3A_173, %swap3A_174, %swap3A_175, %swap3A_176], %broadcast_in_dim3A_1 {strides = array<i32>} : memref<2x2x20x1000xf32, #tpu.memory_space<vmem>>, vector<16xf32>,
      %swap3A_178 = arith.index_cast %select_n3A : i32 to index
      %swap3A_179 = arith.index_cast %select_n3A_106 : i32 to index
      %swap3A_180 = arith.index_cast %rem3A_108 : i32 to index
      %swap3A_181 = arith.constant 224 : index
      %swap3A_182 = tpu.vector_load %arg4[%swap3A_178, %swap3A_179, %swap3A_180, %swap3A_181] {strides = array<i32>} : memref<2x2x20x1000xf32, #tpu.memory_space<vmem>>, vector<16xf32>,
      tpu.vector_store %arg4[%swap3A_178, %swap3A_179, %swap3A_180, %swap3A_181], %broadcast_in_dim3A_1 {strides = array<i32>} : memref<2x2x20x1000xf32, #tpu.memory_space<vmem>>, vector<16xf32>,
      %swap3A_183 = arith.index_cast %select_n3A : i32 to index
      %swap3A_184 = arith.index_cast %select_n3A_106 : i32 to index
      %swap3A_185 = arith.index_cast %rem3A_108 : i32 to index
      %swap3A_186 = arith.constant 240 : index
      %swap3A_187 = tpu.vector_load %arg4[%swap3A_183, %swap3A_184, %swap3A_185, %swap3A_186] {strides = array<i32>} : memref<2x2x20x1000xf32, #tpu.memory_space<vmem>>, vector<16xf32>,
      tpu.vector_store %arg4[%swap3A_183, %swap3A_184, %swap3A_185, %swap3A_186], %broadcast_in_dim3A_1 {strides = array<i32>} : memref<2x2x20x1000xf32, #tpu.memory_space<vmem>>, vector<16xf32>,
      %swap3A_188 = arith.index_cast %select_n3A : i32 to index
      %swap3A_189 = arith.index_cast %select_n3A_106 : i32 to index
      %swap3A_190 = arith.index_cast %rem3A_108 : i32 to index
      %swap3A_191 = arith.constant 256 : index
      %swap3A_192 = tpu.vector_load %arg4[%swap3A_188, %swap3A_189, %swap3A_190, %swap3A_191] {strides = array<i32>} : memref<2x2x20x1000xf32, #tpu.memory_space<vmem>>, vector<16xf32>,
      tpu.vector_store %arg4[%swap3A_188, %swap3A_189, %swap3A_190, %swap3A_191], %broadcast_in_dim3A_1 {strides = array<i32>} : memref<2x2x20x1000xf32, #tpu.memory_space<vmem>>, vector<16xf32>,
      %swap3A_193 = arith.index_cast %select_n3A : i32 to index
      %swap3A_194 = arith.index_cast %select_n3A_106 : i32 to index
      %swap3A_195 = arith.index_cast %rem3A_108 : i32 to index
      %swap3A_196 = arith.constant 272 : index
      %swap3A_197 = tpu.vector_load %arg4[%swap3A_193, %swap3A_194, %swap3A_195, %swap3A_196] {strides = array<i32>} : memref<2x2x20x1000xf32, #tpu.memory_space<vmem>>, vector<16xf32>,
      tpu.vector_store %arg4[%swap3A_193, %swap3A_194, %swap3A_195, %swap3A_196], %broadcast_in_dim3A_1 {strides = array<i32>} : memref<2x2x20x1000xf32, #tpu.memory_space<vmem>>, vector<16xf32>,
      %swap3A_198 = arith.index_cast %select_n3A : i32 to index
      %swap3A_199 = arith.index_cast %select_n3A_106 : i32 to index
      %swap3A_200 = arith.index_cast %rem3A_108 : i32 to index
      %swap3A_201 = arith.constant 288 : index
      %swap3A_202 = tpu.vector_load %arg4[%swap3A_198, %swap3A_199, %swap3A_200, %swap3A_201] {strides = array<i32>} : memref<2x2x20x1000xf32, #tpu.memory_space<vmem>>, vector<16xf32>,
      tpu.vector_store %arg4[%swap3A_198, %swap3A_199, %swap3A_200, %swap3A_201], %broadcast_in_dim3A_1 {strides = array<i32>} : memref<2x2x20x1000xf32, #tpu.memory_space<vmem>>, vector<16xf32>,
      %swap3A_203 = arith.index_cast %select_n3A : i32 to index
      %swap3A_204 = arith.index_cast %select_n3A_106 : i32 to index
      %swap3A_205 = arith.index_cast %rem3A_108 : i32 to index
      %swap3A_206 = arith.constant 304 : index
      %swap3A_207 = tpu.vector_load %arg4[%swap3A_203, %swap3A_204, %swap3A_205, %swap3A_206] {strides = array<i32>} : memref<2x2x20x1000xf32, #tpu.memory_space<vmem>>, vector<16xf32>,
      tpu.vector_store %arg4[%swap3A_203, %swap3A_204, %swap3A_205, %swap3A_206], %broadcast_in_dim3A_1 {strides = array<i32>} : memref<2x2x20x1000xf32, #tpu.memory_space<vmem>>, vector<16xf32>,
      %swap3A_208 = arith.index_cast %select_n3A : i32 to index
      %swap3A_209 = arith.index_cast %select_n3A_106 : i32 to index
      %swap3A_210 = arith.index_cast %rem3A_108 : i32 to index
      %swap3A_211 = arith.constant 320 : index
      %swap3A_212 = tpu.vector_load %arg4[%swap3A_208, %swap3A_209, %swap3A_210, %swap3A_211] {strides = array<i32>} : memref<2x2x20x1000xf32, #tpu.memory_space<vmem>>, vector<16xf32>,
      tpu.vector_store %arg4[%swap3A_208, %swap3A_209, %swap3A_210, %swap3A_211], %broadcast_in_dim3A_1 {strides = array<i32>} : memref<2x2x20x1000xf32, #tpu.memory_space<vmem>>, vector<16xf32>,
      %swap3A_213 = arith.index_cast %select_n3A : i32 to index
      %swap3A_214 = arith.index_cast %select_n3A_106 : i32 to index
      %swap3A_215 = arith.index_cast %rem3A_108 : i32 to index
      %swap3A_216 = arith.constant 336 : index
      %swap3A_217 = tpu.vector_load %arg4[%swap3A_213, %swap3A_214, %swap3A_215, %swap3A_216] {strides = array<i32>} : memref<2x2x20x1000xf32, #tpu.memory_space<vmem>>, vector<16xf32>,
      tpu.vector_store %arg4[%swap3A_213, %swap3A_214, %swap3A_215, %swap3A_216], %broadcast_in_dim3A_1 {strides = array<i32>} : memref<2x2x20x1000xf32, #tpu.memory_space<vmem>>, vector<16xf32>,
      %swap3A_218 = arith.index_cast %select_n3A : i32 to index
      %swap3A_219 = arith.index_cast %select_n3A_106 : i32 to index
      %swap3A_220 = arith.index_cast %rem3A_108 : i32 to index
      %swap3A_221 = arith.constant 352 : index
      %swap3A_222 = tpu.vector_load %arg4[%swap3A_218, %swap3A_219, %swap3A_220, %swap3A_221] {strides = array<i32>} : memref<2x2x20x1000xf32, #tpu.memory_space<vmem>>, vector<16xf32>,
      tpu.vector_store %arg4[%swap3A_218, %swap3A_219, %swap3A_220, %swap3A_221], %broadcast_in_dim3A_1 {strides = array<i32>} : memref<2x2x20x1000xf32, #tpu.memory_space<vmem>>, vector<16xf32>,
      %swap3A_223 = arith.index_cast %select_n3A : i32 to index
      %swap3A_224 = arith.index_cast %select_n3A_106 : i32 to index
      %swap3A_225 = arith.index_cast %rem3A_108 : i32 to index
      %swap3A_226 = arith.constant 368 : index
      %swap3A_227 = tpu.vector_load %arg4[%swap3A_223, %swap3A_224, %swap3A_225, %swap3A_226] {strides = array<i32>} : memref<2x2x20x1000xf32, #tpu.memory_space<vmem>>, vector<16xf32>,
      tpu.vector_store %arg4[%swap3A_223, %swap3A_224, %swap3A_225, %swap3A_226], %broadcast_in_dim3A_1 {strides = array<i32>} : memref<2x2x20x1000xf32, #tpu.memory_space<vmem>>, vector<16xf32>,
      %swap3A_228 = arith.index_cast %select_n3A : i32 to index
      %swap3A_229 = arith.index_cast %select_n3A_106 : i32 to index
      %swap3A_230 = arith.index_cast %rem3A_108 : i32 to index
      %swap3A_231 = arith.constant 384 : index
      %swap3A_232 = tpu.vector_load %arg4[%swap3A_228, %swap3A_229, %swap3A_230, %swap3A_231] {strides = array<i32>} : memref<2x2x20x1000xf32, #tpu.memory_space<vmem>>, vector<16xf32>,
      tpu.vector_store %arg4[%swap3A_228, %swap3A_229, %swap3A_230, %swap3A_231], %broadcast_in_dim3A_1 {strides = array<i32>} : memref<2x2x20x1000xf32, #tpu.memory_space<vmem>>, vector<16xf32>,
      %swap3A_233 = arith.index_cast %select_n3A : i32 to index
      %swap3A_234 = arith.index_cast %select_n3A_106 : i32 to index
      %swap3A_235 = arith.index_cast %rem3A_108 : i32 to index
      %swap3A_236 = arith.constant 400 : index
      %swap3A_237 = tpu.vector_load %arg4[%swap3A_233, %swap3A_234, %swap3A_235, %swap3A_236] {strides = array<i32>} : memref<2x2x20x1000xf32, #tpu.memory_space<vmem>>, vector<16xf32>,
      tpu.vector_store %arg4[%swap3A_233, %swap3A_234, %swap3A_235, %swap3A_236], %broadcast_in_dim3A_1 {strides = array<i32>} : memref<2x2x20x1000xf32, #tpu.memory_space<vmem>>, vector<16xf32>,
      %swap3A_238 = arith.index_cast %select_n3A : i32 to index
      %swap3A_239 = arith.index_cast %select_n3A_106 : i32 to index
      %swap3A_240 = arith.index_cast %rem3A_108 : i32 to index
      %swap3A_241 = arith.constant 416 : index
      %swap3A_242 = tpu.vector_load %arg4[%swap3A_238, %swap3A_239, %swap3A_240, %swap3A_241] {strides = array<i32>} : memref<2x2x20x1000xf32, #tpu.memory_space<vmem>>, vector<16xf32>,
      tpu.vector_store %arg4[%swap3A_238, %swap3A_239, %swap3A_240, %swap3A_241], %broadcast_in_dim3A_1 {strides = array<i32>} : memref<2x2x20x1000xf32, #tpu.memory_space<vmem>>, vector<16xf32>,
      %swap3A_243 = arith.index_cast %select_n3A : i32 to index
      %swap3A_244 = arith.index_cast %select_n3A_106 : i32 to index
      %swap3A_245 = arith.index_cast %rem3A_108 : i32 to index
      %swap3A_246 = arith.constant 432 : index
      %swap3A_247 = tpu.vector_load %arg4[%swap3A_243, %swap3A_244, %swap3A_245, %swap3A_246] {strides = array<i32>} : memref<2x2x20x1000xf32, #tpu.memory_space<vmem>>, vector<16xf32>,
      tpu.vector_store %arg4[%swap3A_243, %swap3A_244, %swap3A_245, %swap3A_246], %broadcast_in_dim3A_1 {strides = array<i32>} : memref<2x2x20x1000xf32, #tpu.memory_space<vmem>>, vector<16xf32>,
      %swap3A_248 = arith.index_cast %select_n3A : i32 to index
      %swap3A_249 = arith.index_cast %select_n3A_106 : i32 to index
      %swap3A_250 = arith.index_cast %rem3A_108 : i32 to index
      %swap3A_251 = arith.constant 448 : index
      %swap3A_252 = tpu.vector_load %arg4[%swap3A_248, %swap3A_249, %swap3A_250, %swap3A_251] {strides = array<i32>} : memref<2x2x20x1000xf32, #tpu.memory_space<vmem>>, vector<16xf32>,
      tpu.vector_store %arg4[%swap3A_248, %swap3A_249, %swap3A_250, %swap3A_251], %broadcast_in_dim3A_1 {strides = array<i32>} : memref<2x2x20x1000xf32, #tpu.memory_space<vmem>>, vector<16xf32>,
      %swap3A_253 = arith.index_cast %select_n3A : i32 to index
      %swap3A_254 = arith.index_cast %select_n3A_106 : i32 to index
      %swap3A_255 = arith.index_cast %rem3A_108 : i32 to index
      %swap3A_256 = arith.constant 464 : index
      %swap3A_257 = tpu.vector_load %arg4[%swap3A_253, %swap3A_254, %swap3A_255, %swap3A_256] {strides = array<i32>} : memref<2x2x20x1000xf32, #tpu.memory_space<vmem>>, vector<16xf32>,
      tpu.vector_store %arg4[%swap3A_253, %swap3A_254, %swap3A_255, %swap3A_256], %broadcast_in_dim3A_1 {strides = array<i32>} : memref<2x2x20x1000xf32, #tpu.memory_space<vmem>>, vector<16xf32>,
      %swap3A_258 = arith.index_cast %select_n3A : i32 to index
      %swap3A_259 = arith.index_cast %select_n3A_106 : i32 to index
      %swap3A_260 = arith.index_cast %rem3A_108 : i32 to index
      %swap3A_261 = arith.constant 480 : index
      %swap3A_262 = tpu.vector_load %arg4[%swap3A_258, %swap3A_259, %swap3A_260, %swap3A_261] {strides = array<i32>} : memref<2x2x20x1000xf32, #tpu.memory_space<vmem>>, vector<16xf32>,
      tpu.vector_store %arg4[%swap3A_258, %swap3A_259, %swap3A_260, %swap3A_261], %broadcast_in_dim3A_1 {strides = array<i32>} : memref<2x2x20x1000xf32, #tpu.memory_space<vmem>>, vector<16xf32>,
      %swap3A_263 = arith.index_cast %select_n3A : i32 to index
      %swap3A_264 = arith.index_cast %select_n3A_106 : i32 to index
      %swap3A_265 = arith.index_cast %rem3A_108 : i32 to index
      %swap3A_266 = arith.constant 496 : index
      %swap3A_267 = tpu.vector_load %arg4[%swap3A_263, %swap3A_264, %swap3A_265, %swap3A_266] {strides = array<i32>} : memref<2x2x20x1000xf32, #tpu.memory_space<vmem>>, vector<16xf32>,
      tpu.vector_store %arg4[%swap3A_263, %swap3A_264, %swap3A_265, %swap3A_266], %broadcast_in_dim3A_1 {strides = array<i32>} : memref<2x2x20x1000xf32, #tpu.memory_space<vmem>>, vector<16xf32>,
      %swap3A_268 = arith.index_cast %select_n3A : i32 to index
      %swap3A_269 = arith.index_cast %select_n3A_106 : i32 to index
      %swap3A_270 = arith.index_cast %rem3A_108 : i32 to index
      %swap3A_271 = arith.constant 512 : index
      %swap3A_272 = tpu.vector_load %arg4[%swap3A_268, %swap3A_269, %swap3A_270, %swap3A_271] {strides = array<i32>} : memref<2x2x20x1000xf32, #tpu.memory_space<vmem>>, vector<16xf32>,
      tpu.vector_store %arg4[%swap3A_268, %swap3A_269, %swap3A_270, %swap3A_271], %broadcast_in_dim3A_1 {strides = array<i32>} : memref<2x2x20x1000xf32, #tpu.memory_space<vmem>>, vector<16xf32>,
      %swap3A_273 = arith.index_cast %select_n3A : i32 to index
      %swap3A_274 = arith.index_cast %select_n3A_106 : i32 to index
      %swap3A_275 = arith.index_cast %rem3A_108 : i32 to index
      %swap3A_276 = arith.constant 528 : index
      %swap3A_277 = tpu.vector_load %arg4[%swap3A_273, %swap3A_274, %swap3A_275, %swap3A_276] {strides = array<i32>} : memref<2x2x20x1000xf32, #tpu.memory_space<vmem>>, vector<16xf32>,
      tpu.vector_store %arg4[%swap3A_273, %swap3A_274, %swap3A_275, %swap3A_276], %broadcast_in_dim3A_1 {strides = array<i32>} : memref<2x2x20x1000xf32, #tpu.memory_space<vmem>>, vector<16xf32>,
      %swap3A_278 = arith.index_cast %select_n3A : i32 to index
      %swap3A_279 = arith.index_cast %select_n3A_106 : i32 to index
      %swap3A_280 = arith.index_cast %rem3A_108 : i32 to index
      %swap3A_281 = arith.constant 544 : index
      %swap3A_282 = tpu.vector_load %arg4[%swap3A_278, %swap3A_279, %swap3A_280, %swap3A_281] {strides = array<i32>} : memref<2x2x20x1000xf32, #tpu.memory_space<vmem>>, vector<16xf32>,
      tpu.vector_store %arg4[%swap3A_278, %swap3A_279, %swap3A_280, %swap3A_281], %broadcast_in_dim3A_1 {strides = array<i32>} : memref<2x2x20x1000xf32, #tpu.memory_space<vmem>>, vector<16xf32>,
      %swap3A_283 = arith.index_cast %select_n3A : i32 to index
      %swap3A_284 = arith.index_cast %select_n3A_106 : i32 to index
      %swap3A_285 = arith.index_cast %rem3A_108 : i32 to index
      %swap3A_286 = arith.constant 560 : index
      %swap3A_287 = tpu.vector_load %arg4[%swap3A_283, %swap3A_284, %swap3A_285, %swap3A_286] {strides = array<i32>} : memref<2x2x20x1000xf32, #tpu.memory_space<vmem>>, vector<16xf32>,
      tpu.vector_store %arg4[%swap3A_283, %swap3A_284, %swap3A_285, %swap3A_286], %broadcast_in_dim3A_1 {strides = array<i32>} : memref<2x2x20x1000xf32, #tpu.memory_space<vmem>>, vector<16xf32>,
      %swap3A_288 = arith.index_cast %select_n3A : i32 to index
      %swap3A_289 = arith.index_cast %select_n3A_106 : i32 to index
      %swap3A_290 = arith.index_cast %rem3A_108 : i32 to index
      %swap3A_291 = arith.constant 576 : index
      %swap3A_292 = tpu.vector_load %arg4[%swap3A_288, %swap3A_289, %swap3A_290, %swap3A_291] {strides = array<i32>} : memref<2x2x20x1000xf32, #tpu.memory_space<vmem>>, vector<16xf32>,
      tpu.vector_store %arg4[%swap3A_288, %swap3A_289, %swap3A_290, %swap3A_291], %broadcast_in_dim3A_1 {strides = array<i32>} : memref<2x2x20x1000xf32, #tpu.memory_space<vmem>>, vector<16xf32>,
      %swap3A_293 = arith.index_cast %select_n3A : i32 to index
      %swap3A_294 = arith.index_cast %select_n3A_106 : i32 to index
      %swap3A_295 = arith.index_cast %rem3A_108 : i32 to index
      %swap3A_296 = arith.constant 592 : index
      %swap3A_297 = tpu.vector_load %arg4[%swap3A_293, %swap3A_294, %swap3A_295, %swap3A_296] {strides = array<i32>} : memref<2x2x20x1000xf32, #tpu.memory_space<vmem>>, vector<16xf32>,
      tpu.vector_store %arg4[%swap3A_293, %swap3A_294, %swap3A_295, %swap3A_296], %broadcast_in_dim3A_1 {strides = array<i32>} : memref<2x2x20x1000xf32, #tpu.memory_space<vmem>>, vector<16xf32>,
      %swap3A_298 = arith.index_cast %select_n3A : i32 to index
      %swap3A_299 = arith.index_cast %select_n3A_106 : i32 to index
      %swap3A_300 = arith.index_cast %rem3A_108 : i32 to index
      %swap3A_301 = arith.constant 608 : index
      %swap3A_302 = tpu.vector_load %arg4[%swap3A_298, %swap3A_299, %swap3A_300, %swap3A_301] {strides = array<i32>} : memref<2x2x20x1000xf32, #tpu.memory_space<vmem>>, vector<16xf32>,
      tpu.vector_store %arg4[%swap3A_298, %swap3A_299, %swap3A_300, %swap3A_301], %broadcast_in_dim3A_1 {strides = array<i32>} : memref<2x2x20x1000xf32, #tpu.memory_space<vmem>>, vector<16xf32>,
      %swap3A_303 = arith.index_cast %select_n3A : i32 to index
      %swap3A_304 = arith.index_cast %select_n3A_106 : i32 to index
      %swap3A_305 = arith.index_cast %rem3A_108 : i32 to index
      %swap3A_306 = arith.constant 624 : index
      %swap3A_307 = tpu.vector_load %arg4[%swap3A_303, %swap3A_304, %swap3A_305, %swap3A_306] {strides = array<i32>} : memref<2x2x20x1000xf32, #tpu.memory_space<vmem>>, vector<16xf32>,
      tpu.vector_store %arg4[%swap3A_303, %swap3A_304, %swap3A_305, %swap3A_306], %broadcast_in_dim3A_1 {strides = array<i32>} : memref<2x2x20x1000xf32, #tpu.memory_space<vmem>>, vector<16xf32>,
      %swap3A_308 = arith.index_cast %select_n3A : i32 to index
      %swap3A_309 = arith.index_cast %select_n3A_106 : i32 to index
      %swap3A_310 = arith.index_cast %rem3A_108 : i32 to index
      %swap3A_311 = arith.constant 640 : index
      %swap3A_312 = tpu.vector_load %arg4[%swap3A_308, %swap3A_309, %swap3A_310, %swap3A_311] {strides = array<i32>} : memref<2x2x20x1000xf32, #tpu.memory_space<vmem>>, vector<16xf32>,
      tpu.vector_store %arg4[%swap3A_308, %swap3A_309, %swap3A_310, %swap3A_311], %broadcast_in_dim3A_1 {strides = array<i32>} : memref<2x2x20x1000xf32, #tpu.memory_space<vmem>>, vector<16xf32>,
      %swap3A_313 = arith.index_cast %select_n3A : i32 to index
      %swap3A_314 = arith.index_cast %select_n3A_106 : i32 to index
      %swap3A_315 = arith.index_cast %rem3A_108 : i32 to index
      %swap3A_316 = arith.constant 656 : index
      %swap3A_317 = tpu.vector_load %arg4[%swap3A_313, %swap3A_314, %swap3A_315, %swap3A_316] {strides = array<i32>} : memref<2x2x20x1000xf32, #tpu.memory_space<vmem>>, vector<16xf32>,
      tpu.vector_store %arg4[%swap3A_313, %swap3A_314, %swap3A_315, %swap3A_316], %broadcast_in_dim3A_1 {strides = array<i32>} : memref<2x2x20x1000xf32, #tpu.memory_space<vmem>>, vector<16xf32>,
      %swap3A_318 = arith.index_cast %select_n3A : i32 to index
      %swap3A_319 = arith.index_cast %select_n3A_106 : i32 to index
      %swap3A_320 = arith.index_cast %rem3A_108 : i32 to index
      %swap3A_321 = arith.constant 672 : index
      %swap3A_322 = tpu.vector_load %arg4[%swap3A_318, %swap3A_319, %swap3A_320, %swap3A_321] {strides = array<i32>} : memref<2x2x20x1000xf32, #tpu.memory_space<vmem>>, vector<16xf32>,
      tpu.vector_store %arg4[%swap3A_318, %swap3A_319, %swap3A_320, %swap3A_321], %broadcast_in_dim3A_1 {strides = array<i32>} : memref<2x2x20x1000xf32, #tpu.memory_space<vmem>>, vector<16xf32>,
      %swap3A_323 = arith.index_cast %select_n3A : i32 to index
      %swap3A_324 = arith.index_cast %select_n3A_106 : i32 to index
      %swap3A_325 = arith.index_cast %rem3A_108 : i32 to index
      %swap3A_326 = arith.constant 688 : index
      %swap3A_327 = tpu.vector_load %arg4[%swap3A_323, %swap3A_324, %swap3A_325, %swap3A_326] {strides = array<i32>} : memref<2x2x20x1000xf32, #tpu.memory_space<vmem>>, vector<16xf32>,
      tpu.vector_store %arg4[%swap3A_323, %swap3A_324, %swap3A_325, %swap3A_326], %broadcast_in_dim3A_1 {strides = array<i32>} : memref<2x2x20x1000xf32, #tpu.memory_space<vmem>>, vector<16xf32>,
      %swap3A_328 = arith.index_cast %select_n3A : i32 to index
      %swap3A_329 = arith.index_cast %select_n3A_106 : i32 to index
      %swap3A_330 = arith.index_cast %rem3A_108 : i32 to index
      %swap3A_331 = arith.constant 704 : index
      %swap3A_332 = tpu.vector_load %arg4[%swap3A_328, %swap3A_329, %swap3A_330, %swap3A_331] {strides = array<i32>} : memref<2x2x20x1000xf32, #tpu.memory_space<vmem>>, vector<16xf32>,
      tpu.vector_store %arg4[%swap3A_328, %swap3A_329, %swap3A_330, %swap3A_331], %broadcast_in_dim3A_1 {strides = array<i32>} : memref<2x2x20x1000xf32, #tpu.memory_space<vmem>>, vector<16xf32>,
      %swap3A_333 = arith.index_cast %select_n3A : i32 to index
      %swap3A_334 = arith.index_cast %select_n3A_106 : i32 to index
      %swap3A_335 = arith.index_cast %rem3A_108 : i32 to index
      %swap3A_336 = arith.constant 720 : index
      %swap3A_337 = tpu.vector_load %arg4[%swap3A_333, %swap3A_334, %swap3A_335, %swap3A_336] {strides = array<i32>} : memref<2x2x20x1000xf32, #tpu.memory_space<vmem>>, vector<16xf32>,
      tpu.vector_store %arg4[%swap3A_333, %swap3A_334, %swap3A_335, %swap3A_336], %broadcast_in_dim3A_1 {strides = array<i32>} : memref<2x2x20x1000xf32, #tpu.memory_space<vmem>>, vector<16xf32>,
      %swap3A_338 = arith.index_cast %select_n3A : i32 to index
      %swap3A_339 = arith.index_cast %select_n3A_106 : i32 to index
      %swap3A_340 = arith.index_cast %rem3A_108 : i32 to index
      %swap3A_341 = arith.constant 736 : index
      %swap3A_342 = tpu.vector_load %arg4[%swap3A_338, %swap3A_339, %swap3A_340, %swap3A_341] {strides = array<i32>} : memref<2x2x20x1000xf32, #tpu.memory_space<vmem>>, vector<16xf32>,
      tpu.vector_store %arg4[%swap3A_338, %swap3A_339, %swap3A_340, %swap3A_341], %broadcast_in_dim3A_1 {strides = array<i32>} : memref<2x2x20x1000xf32, #tpu.memory_space<vmem>>, vector<16xf32>,
      %swap3A_343 = arith.index_cast %select_n3A : i32 to index
      %swap3A_344 = arith.index_cast %select_n3A_106 : i32 to index
      %swap3A_345 = arith.index_cast %rem3A_108 : i32 to index
      %swap3A_346 = arith.constant 752 : index
      %swap3A_347 = tpu.vector_load %arg4[%swap3A_343, %swap3A_344, %swap3A_345, %swap3A_346] {strides = array<i32>} : memref<2x2x20x1000xf32, #tpu.memory_space<vmem>>, vector<16xf32>,
      tpu.vector_store %arg4[%swap3A_343, %swap3A_344, %swap3A_345, %swap3A_346], %broadcast_in_dim3A_1 {strides = array<i32>} : memref<2x2x20x1000xf32, #tpu.memory_space<vmem>>, vector<16xf32>,
      %swap3A_348 = arith.index_cast %select_n3A : i32 to index
      %swap3A_349 = arith.index_cast %select_n3A_106 : i32 to index
      %swap3A_350 = arith.index_cast %rem3A_108 : i32 to index
      %swap3A_351 = arith.constant 768 : index
      %swap3A_352 = tpu.vector_load %arg4[%swap3A_348, %swap3A_349, %swap3A_350, %swap3A_351] {strides = array<i32>} : memref<2x2x20x1000xf32, #tpu.memory_space<vmem>>, vector<16xf32>,
      tpu.vector_store %arg4[%swap3A_348, %swap3A_349, %swap3A_350, %swap3A_351], %broadcast_in_dim3A_1 {strides = array<i32>} : memref<2x2x20x1000xf32, #tpu.memory_space<vmem>>, vector<16xf32>,
      %swap3A_353 = arith.index_cast %select_n3A : i32 to index
      %swap3A_354 = arith.index_cast %select_n3A_106 : i32 to index
      %swap3A_355 = arith.index_cast %rem3A_108 : i32 to index
      %swap3A_356 = arith.constant 784 : index
      %swap3A_357 = tpu.vector_load %arg4[%swap3A_353, %swap3A_354, %swap3A_355, %swap3A_356] {strides = array<i32>} : memref<2x2x20x1000xf32, #tpu.memory_space<vmem>>, vector<16xf32>,
      tpu.vector_store %arg4[%swap3A_353, %swap3A_354, %swap3A_355, %swap3A_356], %broadcast_in_dim3A_1 {strides = array<i32>} : memref<2x2x20x1000xf32, #tpu.memory_space<vmem>>, vector<16xf32>,
      %swap3A_358 = arith.index_cast %select_n3A : i32 to index
      %swap3A_359 = arith.index_cast %select_n3A_106 : i32 to index
      %swap3A_360 = arith.index_cast %rem3A_108 : i32 to index
      %swap3A_361 = arith.constant 800 : index
      %swap3A_362 = tpu.vector_load %arg4[%swap3A_358, %swap3A_359, %swap3A_360, %swap3A_361] {strides = array<i32>} : memref<2x2x20x1000xf32, #tpu.memory_space<vmem>>, vector<16xf32>,
      tpu.vector_store %arg4[%swap3A_358, %swap3A_359, %swap3A_360, %swap3A_361], %broadcast_in_dim3A_1 {strides = array<i32>} : memref<2x2x20x1000xf32, #tpu.memory_space<vmem>>, vector<16xf32>,
      %swap3A_363 = arith.index_cast %select_n3A : i32 to index
      %swap3A_364 = arith.index_cast %select_n3A_106 : i32 to index
      %swap3A_365 = arith.index_cast %rem3A_108 : i32 to index
      %swap3A_366 = arith.constant 816 : index
      %swap3A_367 = tpu.vector_load %arg4[%swap3A_363, %swap3A_364, %swap3A_365, %swap3A_366] {strides = array<i32>} : memref<2x2x20x1000xf32, #tpu.memory_space<vmem>>, vector<16xf32>,
      tpu.vector_store %arg4[%swap3A_363, %swap3A_364, %swap3A_365, %swap3A_366], %broadcast_in_dim3A_1 {strides = array<i32>} : memref<2x2x20x1000xf32, #tpu.memory_space<vmem>>, vector<16xf32>,
      %swap3A_368 = arith.index_cast %select_n3A : i32 to index
      %swap3A_369 = arith.index_cast %select_n3A_106 : i32 to index
      %swap3A_370 = arith.index_cast %rem3A_108 : i32 to index
      %swap3A_371 = arith.constant 832 : index
      %swap3A_372 = tpu.vector_load %arg4[%swap3A_368, %swap3A_369, %swap3A_370, %swap3A_371] {strides = array<i32>} : memref<2x2x20x1000xf32, #tpu.memory_space<vmem>>, vector<16xf32>,
      tpu.vector_store %arg4[%swap3A_368, %swap3A_369, %swap3A_370, %swap3A_371], %broadcast_in_dim3A_1 {strides = array<i32>} : memref<2x2x20x1000xf32, #tpu.memory_space<vmem>>, vector<16xf32>,
      %swap3A_373 = arith.index_cast %select_n3A : i32 to index
      %swap3A_374 = arith.index_cast %select_n3A_106 : i32 to index
      %swap3A_375 = arith.index_cast %rem3A_108 : i32 to index
      %swap3A_376 = arith.constant 848 : index
      %swap3A_377 = tpu.vector_load %arg4[%swap3A_373, %swap3A_374, %swap3A_375, %swap3A_376] {strides = array<i32>} : memref<2x2x20x1000xf32, #tpu.memory_space<vmem>>, vector<16xf32>,
      tpu.vector_store %arg4[%swap3A_373, %swap3A_374, %swap3A_375, %swap3A_376], %broadcast_in_dim3A_1 {strides = array<i32>} : memref<2x2x20x1000xf32, #tpu.memory_space<vmem>>, vector<16xf32>,
      %swap3A_378 = arith.index_cast %select_n3A : i32 to index
      %swap3A_379 = arith.index_cast %select_n3A_106 : i32 to index
      %swap3A_380 = arith.index_cast %rem3A_108 : i32 to index
      %swap3A_381 = arith.constant 864 : index
      %swap3A_382 = tpu.vector_load %arg4[%swap3A_378, %swap3A_379, %swap3A_380, %swap3A_381] {strides = array<i32>} : memref<2x2x20x1000xf32, #tpu.memory_space<vmem>>, vector<16xf32>,
      tpu.vector_store %arg4[%swap3A_378, %swap3A_379, %swap3A_380, %swap3A_381], %broadcast_in_dim3A_1 {strides = array<i32>} : memref<2x2x20x1000xf32, #tpu.memory_space<vmem>>, vector<16xf32>,
      %swap3A_383 = arith.index_cast %select_n3A : i32 to index
      %swap3A_384 = arith.index_cast %select_n3A_106 : i32 to index
      %swap3A_385 = arith.index_cast %rem3A_108 : i32 to index
      %swap3A_386 = arith.constant 880 : index
      %swap3A_387 = tpu.vector_load %arg4[%swap3A_383, %swap3A_384, %swap3A_385, %swap3A_386] {strides = array<i32>} : memref<2x2x20x1000xf32, #tpu.memory_space<vmem>>, vector<16xf32>,
      tpu.vector_store %arg4[%swap3A_383, %swap3A_384, %swap3A_385, %swap3A_386], %broadcast_in_dim3A_1 {strides = array<i32>} : memref<2x2x20x1000xf32, #tpu.memory_space<vmem>>, vector<16xf32>,
      %swap3A_388 = arith.index_cast %select_n3A : i32 to index
      %swap3A_389 = arith.index_cast %select_n3A_106 : i32 to index
      %swap3A_390 = arith.index_cast %rem3A_108 : i32 to index
      %swap3A_391 = arith.constant 896 : index
      %swap3A_392 = tpu.vector_load %arg4[%swap3A_388, %swap3A_389, %swap3A_390, %swap3A_391] {strides = array<i32>} : memref<2x2x20x1000xf32, #tpu.memory_space<vmem>>, vector<16xf32>,
      tpu.vector_store %arg4[%swap3A_388, %swap3A_389, %swap3A_390, %swap3A_391], %broadcast_in_dim3A_1 {strides = array<i32>} : memref<2x2x20x1000xf32, #tpu.memory_space<vmem>>, vector<16xf32>,
      %swap3A_393 = arith.index_cast %select_n3A : i32 to index
      %swap3A_394 = arith.index_cast %select_n3A_106 : i32 to index
      %swap3A_395 = arith.index_cast %rem3A_108 : i32 to index
      %swap3A_396 = arith.constant 912 : index
      %swap3A_397 = tpu.vector_load %arg4[%swap3A_393, %swap3A_394, %swap3A_395, %swap3A_396] {strides = array<i32>} : memref<2x2x20x1000xf32, #tpu.memory_space<vmem>>, vector<16xf32>,
      tpu.vector_store %arg4[%swap3A_393, %swap3A_394, %swap3A_395, %swap3A_396], %broadcast_in_dim3A_1 {strides = array<i32>} : memref<2x2x20x1000xf32, #tpu.memory_space<vmem>>, vector<16xf32>,
      %swap3A_398 = arith.index_cast %select_n3A : i32 to index
      %swap3A_399 = arith.index_cast %select_n3A_106 : i32 to index
      %swap3A_400 = arith.index_cast %rem3A_108 : i32 to index
      %swap3A_401 = arith.constant 928 : index
      %swap3A_402 = tpu.vector_load %arg4[%swap3A_398, %swap3A_399, %swap3A_400, %swap3A_401] {strides = array<i32>} : memref<2x2x20x1000xf32, #tpu.memory_space<vmem>>, vector<16xf32>,
      tpu.vector_store %arg4[%swap3A_398, %swap3A_399, %swap3A_400, %swap3A_401], %broadcast_in_dim3A_1 {strides = array<i32>} : memref<2x2x20x1000xf32, #tpu.memory_space<vmem>>, vector<16xf32>,
      %swap3A_403 = arith.index_cast %select_n3A : i32 to index
      %swap3A_404 = arith.index_cast %select_n3A_106 : i32 to index
      %swap3A_405 = arith.index_cast %rem3A_108 : i32 to index
      %swap3A_406 = arith.constant 944 : index
      %swap3A_407 = tpu.vector_load %arg4[%swap3A_403, %swap3A_404, %swap3A_405, %swap3A_406] {strides = array<i32>} : memref<2x2x20x1000xf32, #tpu.memory_space<vmem>>, vector<16xf32>,
      tpu.vector_store %arg4[%swap3A_403, %swap3A_404, %swap3A_405, %swap3A_406], %broadcast_in_dim3A_1 {strides = array<i32>} : memref<2x2x20x1000xf32, #tpu.memory_space<vmem>>, vector<16xf32>,
      %swap3A_408 = arith.index_cast %select_n3A : i32 to index
      %swap3A_409 = arith.index_cast %select_n3A_106 : i32 to index
      %swap3A_410 = arith.index_cast %rem3A_108 : i32 to index
      %swap3A_411 = arith.constant 960 : index
      %swap3A_412 = tpu.vector_load %arg4[%swap3A_408, %swap3A_409, %swap3A_410, %swap3A_411] {strides = array<i32>} : memref<2x2x20x1000xf32, #tpu.memory_space<vmem>>, vector<16xf32>,
      tpu.vector_store %arg4[%swap3A_408, %swap3A_409, %swap3A_410, %swap3A_411], %broadcast_in_dim3A_1 {strides = array<i32>} : memref<2x2x20x1000xf32, #tpu.memory_space<vmem>>, vector<16xf32>,
      %swap3A_413 = arith.index_cast %select_n3A : i32 to index
      %swap3A_414 = arith.index_cast %select_n3A_106 : i32 to index
      %swap3A_415 = arith.index_cast %rem3A_108 : i32 to index
      %swap3A_416 = arith.constant 976 : index
      %swap3A_417 = tpu.vector_load %arg4[%swap3A_413, %swap3A_414, %swap3A_415, %swap3A_416] {strides = array<i32>} : memref<2x2x20x1000xf32, #tpu.memory_space<vmem>>, vector<16xf32>,
      tpu.vector_store %arg4[%swap3A_413, %swap3A_414, %swap3A_415, %swap3A_416], %broadcast_in_dim3A_1 {strides = array<i32>} : memref<2x2x20x1000xf32, #tpu.memory_space<vmem>>, vector<16xf32>,
      %swap3A_418 = arith.index_cast %select_n3A : i32 to index
      %swap3A_419 = arith.index_cast %select_n3A_106 : i32 to index
      %swap3A_420 = arith.index_cast %rem3A_108 : i32 to index
      %swap3A_421 = arith.constant 984 : index
      %swap3A_422 = tpu.vector_load %arg4[%swap3A_418, %swap3A_419, %swap3A_420, %swap3A_421] {strides = array<i32>} : memref<2x2x20x1000xf32, #tpu.memory_space<vmem>>, vector<16xf32>,
      tpu.vector_store %arg4[%swap3A_418, %swap3A_419, %swap3A_420, %swap3A_421], %broadcast_in_dim3A_1 {strides = array<i32>} : memref<2x2x20x1000xf32, #tpu.memory_space<vmem>>, vector<16xf32>,
    }
    %scan3A_10 = arith.constant 80 : i32
    %scan3A_11 = arith.constant 0 : i32
    %scan3A_12 = arith.constant 0 : i32
    %scan3A_13 = arith.constant 64 : i32
    %scan3A_14 = arith.addi %scan3A_12, %scan3A_13 : i32
    %scan3A_15 = arith.constant 1 : i32
    scf.for %scan3A_64 = %scan3A_12 to %scan3A_14 step %scan3A_15  : i32 {
      %rem3A = arith.constant 2 : i32
      %rem3A_65 = arith.remsi %scan3A_64, %rem3A : i32
      %ge3A = arith.constant 2 : i32
      %ge3A_66 = arith.cmpi sge, %scan3A_64, %ge3A : i32
      %convert_element_type3A = arith.extui %ge3A_66 : i1 to i32
      %cond3A = arith.constant 0 : i32
      %cond3A_67 = arith.cmpi ne, %convert_element_type3A, %cond3A : i32
      scf.if %cond3A_67 {
        %sub3A_233 = arith.constant 2 : i32
        %sub3A_234 = arith.subi %scan3A_64, %sub3A_233 : i32
        %mul3A_235 = arith.constant 128 : i32
        %mul3A_236 = arith.muli %add3A, %mul3A_235 : i32
        %mul3A_237 = arith.constant 2 : i32
        %mul3A_238 = arith.muli %sub3A_234, %mul3A_237 : i32
        %add3A_239 = arith.addi %mul3A_236, %mul3A_238 : i32
        %dma_wait3A_240 = arith.constant 0 : i32
        %dma_wait3A_241 = arith.constant 0 : i32
        %dma_wait3A_242 = arith.constant 0 : i32
        %dma_wait3A_243 = tpu.memref_slice %arg4[%rem3A_65, %dma_wait3A_240, %dma_wait3A_241, %dma_wait3A_242] : memref<2x2x20x1000xf32, #tpu.memory_space<vmem>> -> memref<1x2x20x1000xf32, #tpu.memory_space<vmem>>
        %dma_wait3A_244 = tpu.memref_squeeze %dma_wait3A_243 : memref<1x2x20x1000xf32, #tpu.memory_space<vmem>> -> memref<2x20x1000xf32, #tpu.memory_space<vmem>>
        %dma_wait3A_245 = arith.constant 0 : i32
        %dma_wait3A_246 = arith.constant 0 : i32
        %dma_wait3A_247 = tpu.memref_slice %arg3[%add3A_239, %dma_wait3A_245, %dma_wait3A_246] : memref<4096x20x1000xf32, #tpu.memory_space<hbm>> -> memref<2x20x1000xf32, #tpu.memory_space<hbm>>
        %dma_wait3A_248 = tpu.memref_slice %arg6[%rem3A_65] : memref<2x!tpu.dma_semaphore, #tpu.memory_space<semaphore_mem>> -> memref<1x!tpu.dma_semaphore, #tpu.memory_space<semaphore_mem>>
        %dma_wait3A_249 = tpu.memref_squeeze %dma_wait3A_248 : memref<1x!tpu.dma_semaphore, #tpu.memory_space<semaphore_mem>> -> memref<!tpu.dma_semaphore, #tpu.memory_space<semaphore_mem>>
        %dma_wait3A_250 = arith.constant 0 : i32
        %dma_wait3A_251 = arith.constant 0 : i32
        %dma_wait3A_252 = tpu.memref_slice %arg3[%add3A_239, %dma_wait3A_250, %dma_wait3A_251] : memref<4096x20x1000xf32, #tpu.memory_space<hbm>> -> memref<2x20x1000xf32, #tpu.memory_space<hbm>>
        %dma_wait3A_253 = arith.constant 0 : i32
        %dma_wait3A_254 = arith.constant 0 : i32
        %dma_wait3A_255 = arith.constant 0 : i32
        %dma_wait3A_256 = tpu.memref_slice %arg4[%rem3A_65, %dma_wait3A_253, %dma_wait3A_254, %dma_wait3A_255] : memref<2x2x20x1000xf32, #tpu.memory_space<vmem>> -> memref<1x2x20x1000xf32, #tpu.memory_space<vmem>>
        %dma_wait3A_257 = tpu.memref_squeeze %dma_wait3A_256 : memref<1x2x20x1000xf32, #tpu.memory_space<vmem>> -> memref<2x20x1000xf32, #tpu.memory_space<vmem>>
        tpu.wait_dma2 semaphore(%dma_wait3A_249 : memref<!tpu.dma_semaphore, #tpu.memory_space<semaphore_mem>>) src(%dma_wait3A_257 : memref<2x20x1000xf32, #tpu.memory_space<vmem>>) dst(%dma_wait3A_252 : memref<2x20x1000xf32, #tpu.memory_space<hbm>>)
        %sub3A_258 = arith.constant 2 : i32
        %sub3A_259 = arith.subi %scan3A_64, %sub3A_258 : i32
        %add3A_260 = arith.constant 0 : i32
        %add3A_261 = vector.broadcast %add3A_260 : i32 to vector<16xi32>
        %add3A_262 = arith.addi %iota3A, %add3A_261 : vector<16xi32>
        %lt3A_263 = arith.constant 40 : i32
        %lt3A_264 = vector.broadcast %lt3A_263 : i32 to vector<16xi32>
        %lt3A_265 = arith.cmpi slt, %add3A_262, %lt3A_264 : vector<16xi32>
        %jit3A_266 = arith.constant 20 : i32
        %div3A_267 = vector.broadcast %jit3A_266 : i32 to vector<16xi32>
        %div3A_268 = arith.divsi %add3A_262, %div3A_267 : vector<16xi32>
        %sign3A_269 = arith.constant 0 : i32
        %sign3A_270 = vector.broadcast %sign3A_269 : i32 to vector<16xi32>
        %sign3A_271 = arith.cmpi sgt, %add3A_262, %sign3A_270 : vector<16xi32>
        %sign3A_272 = arith.extui %sign3A_271 : vector<16xi1> to vector<16xi32>
        %sign3A_273 = arith.constant 0 : i32
        %sign3A_274 = vector.broadcast %sign3A_273 : i32 to vector<16xi32>
        %sign3A_275 = arith.cmpi slt, %add3A_262, %sign3A_274 : vector<16xi32>
        %sign3A_276 = arith.extui %sign3A_275 : vector<16xi1> to vector<16xi32>
        %sign3A_277 = arith.subi %sign3A_272, %sign3A_276 : vector<16xi32>
        %sign3A_278 = arith.constant 0 : i32
        %sign3A_279 = arith.cmpi sgt, %jit3A_266, %sign3A_278 : i32
        %sign3A_280 = arith.extui %sign3A_279 : i1 to i32
        %sign3A_281 = arith.constant 0 : i32
        %sign3A_282 = arith.cmpi slt, %jit3A_266, %sign3A_281 : i32
        %sign3A_283 = arith.extui %sign3A_282 : i1 to i32
        %sign3A_284 = arith.subi %sign3A_280, %sign3A_283 : i32
        %ne3A_285 = vector.broadcast %sign3A_284 : i32 to vector<16xi32>
        %ne3A_286 = arith.cmpi ne, %sign3A_277, %ne3A_285 : vector<16xi32>
        %rem3A_287 = vector.broadcast %jit3A_266 : i32 to vector<16xi32>
        %rem3A_288 = arith.remsi %add3A_262, %rem3A_287 : vector<16xi32>
        %ne3A_289 = arith.constant 0 : i32
        %ne3A_290 = vector.broadcast %ne3A_289 : i32 to vector<16xi32>
        %ne3A_291 = arith.cmpi ne, %rem3A_288, %ne3A_290 : vector<16xi32>
        %and3A_292 = arith.andi %ne3A_286, %ne3A_291 : vector<16xi1>
        %sub3A_293 = arith.constant 1 : i32
        %sub3A_294 = vector.broadcast %sub3A_293 : i32 to vector<16xi32>
        %sub3A_295 = arith.subi %div3A_268, %sub3A_294 : vector<16xi32>
        %select_n3A_296 = arith.select %and3A_292, %sub3A_295, %div3A_268 : vector<16xi1>, vector<16xi32>
        %rem3A_297 = arith.constant 20 : i32
        %rem3A_298 = vector.broadcast %rem3A_297 : i32 to vector<16xi32>
        %rem3A_299 = arith.remsi %add3A_262, %rem3A_298 : vector<16xi32>
        %mul3A_300 = arith.constant 40 : i32
        %mul3A_301 = arith.muli %sub3A_259, %mul3A_300 : i32
        %add3A_302 = arith.constant 0 : i32
        %add3A_303 = arith.addi %mul3A_301, %add3A_302 : i32
        %get3A_304 = arith.index_cast %add3A_303 : i32 to index
        %get3A_305 = tpu.vector_load %arg5[%get3A_304] {strides = array<i32>} : memref<2560xi32, #tpu.memory_space<vmem>>, vector<16xi32>,
        %scatter3A_306 = arith.constant 0 : i32
        %scatter3A_307 = arith.constant 0 : i32
        %scatter3A_308 = arith.constant 0 : i32
        %scatter3A_309 = tpu.memref_slice %arg4[%rem3A_65, %scatter3A_306, %scatter3A_307, %scatter3A_308] : memref<2x2x20x1000xf32, #tpu.memory_space<vmem>> -> memref<1x2x20x1000xf32, #tpu.memory_space<vmem>>
        %scatter3A_310 = tpu.memref_squeeze %scatter3A_309 : memref<1x2x20x1000xf32, #tpu.memory_space<vmem>> -> memref<2x20x1000xf32, #tpu.memory_space<vmem>>
        tpu.vector_store_idx %scatter3A_310[%select_n3A_296, %rem3A_299, %get3A_305], %broadcast_in_dim3A_1 masked %lt3A_265 : memref<2x20x1000xf32, #tpu.memory_space<vmem>>[vector<16xi32>, vector<16xi32>, vector<16xi32>], vector<16xf32>, vector<16xi1>
        %add3A_311 = arith.constant 16 : i32
        %add3A_312 = vector.broadcast %add3A_311 : i32 to vector<16xi32>
        %add3A_313 = arith.addi %iota3A, %add3A_312 : vector<16xi32>
        %lt3A_314 = arith.constant 40 : i32
        %lt3A_315 = vector.broadcast %lt3A_314 : i32 to vector<16xi32>
        %lt3A_316 = arith.cmpi slt, %add3A_313, %lt3A_315 : vector<16xi32>
        %jit3A_317 = arith.constant 20 : i32
        %div3A_318 = vector.broadcast %jit3A_317 : i32 to vector<16xi32>
        %div3A_319 = arith.divsi %add3A_313, %div3A_318 : vector<16xi32>
        %sign3A_320 = arith.constant 0 : i32
        %sign3A_321 = vector.broadcast %sign3A_320 : i32 to vector<16xi32>
        %sign3A_322 = arith.cmpi sgt, %add3A_313, %sign3A_321 : vector<16xi32>
        %sign3A_323 = arith.extui %sign3A_322 : vector<16xi1> to vector<16xi32>
        %sign3A_324 = arith.constant 0 : i32
        %sign3A_325 = vector.broadcast %sign3A_324 : i32 to vector<16xi32>
        %sign3A_326 = arith.cmpi slt, %add3A_313, %sign3A_325 : vector<16xi32>
        %sign3A_327 = arith.extui %sign3A_326 : vector<16xi1> to vector<16xi32>
        %sign3A_328 = arith.subi %sign3A_323, %sign3A_327 : vector<16xi32>
        %sign3A_329 = arith.constant 0 : i32
        %sign3A_330 = arith.cmpi sgt, %jit3A_317, %sign3A_329 : i32
        %sign3A_331 = arith.extui %sign3A_330 : i1 to i32
        %sign3A_332 = arith.constant 0 : i32
        %sign3A_333 = arith.cmpi slt, %jit3A_317, %sign3A_332 : i32
        %sign3A_334 = arith.extui %sign3A_333 : i1 to i32
        %sign3A_335 = arith.subi %sign3A_331, %sign3A_334 : i32
        %ne3A_336 = vector.broadcast %sign3A_335 : i32 to vector<16xi32>
        %ne3A_337 = arith.cmpi ne, %sign3A_328, %ne3A_336 : vector<16xi32>
        %rem3A_338 = vector.broadcast %jit3A_317 : i32 to vector<16xi32>
        %rem3A_339 = arith.remsi %add3A_313, %rem3A_338 : vector<16xi32>
        %ne3A_340 = arith.constant 0 : i32
        %ne3A_341 = vector.broadcast %ne3A_340 : i32 to vector<16xi32>
        %ne3A_342 = arith.cmpi ne, %rem3A_339, %ne3A_341 : vector<16xi32>
        %and3A_343 = arith.andi %ne3A_337, %ne3A_342 : vector<16xi1>
        %sub3A_344 = arith.constant 1 : i32
        %sub3A_345 = vector.broadcast %sub3A_344 : i32 to vector<16xi32>
        %sub3A_346 = arith.subi %div3A_319, %sub3A_345 : vector<16xi32>
        %select_n3A_347 = arith.select %and3A_343, %sub3A_346, %div3A_319 : vector<16xi1>, vector<16xi32>
        %rem3A_348 = arith.constant 20 : i32
        %rem3A_349 = vector.broadcast %rem3A_348 : i32 to vector<16xi32>
        %rem3A_350 = arith.remsi %add3A_313, %rem3A_349 : vector<16xi32>
        %mul3A_351 = arith.constant 40 : i32
        %mul3A_352 = arith.muli %sub3A_259, %mul3A_351 : i32
        %add3A_353 = arith.constant 16 : i32
        %add3A_354 = arith.addi %mul3A_352, %add3A_353 : i32
        %get3A_355 = arith.index_cast %add3A_354 : i32 to index
        %get3A_356 = tpu.vector_load %arg5[%get3A_355] {strides = array<i32>} : memref<2560xi32, #tpu.memory_space<vmem>>, vector<16xi32>,
        %scatter3A_357 = arith.constant 0 : i32
        %scatter3A_358 = arith.constant 0 : i32
        %scatter3A_359 = arith.constant 0 : i32
        %scatter3A_360 = tpu.memref_slice %arg4[%rem3A_65, %scatter3A_357, %scatter3A_358, %scatter3A_359] : memref<2x2x20x1000xf32, #tpu.memory_space<vmem>> -> memref<1x2x20x1000xf32, #tpu.memory_space<vmem>>
        %scatter3A_361 = tpu.memref_squeeze %scatter3A_360 : memref<1x2x20x1000xf32, #tpu.memory_space<vmem>> -> memref<2x20x1000xf32, #tpu.memory_space<vmem>>
        tpu.vector_store_idx %scatter3A_361[%select_n3A_347, %rem3A_350, %get3A_356], %broadcast_in_dim3A_1 masked %lt3A_316 : memref<2x20x1000xf32, #tpu.memory_space<vmem>>[vector<16xi32>, vector<16xi32>, vector<16xi32>], vector<16xf32>, vector<16xi1>
        %add3A_362 = arith.constant 32 : i32
        %add3A_363 = vector.broadcast %add3A_362 : i32 to vector<16xi32>
        %add3A_364 = arith.addi %iota3A, %add3A_363 : vector<16xi32>
        %lt3A_365 = arith.constant 40 : i32
        %lt3A_366 = vector.broadcast %lt3A_365 : i32 to vector<16xi32>
        %lt3A_367 = arith.cmpi slt, %add3A_364, %lt3A_366 : vector<16xi32>
        %jit3A_368 = arith.constant 20 : i32
        %div3A_369 = vector.broadcast %jit3A_368 : i32 to vector<16xi32>
        %div3A_370 = arith.divsi %add3A_364, %div3A_369 : vector<16xi32>
        %sign3A_371 = arith.constant 0 : i32
        %sign3A_372 = vector.broadcast %sign3A_371 : i32 to vector<16xi32>
        %sign3A_373 = arith.cmpi sgt, %add3A_364, %sign3A_372 : vector<16xi32>
        %sign3A_374 = arith.extui %sign3A_373 : vector<16xi1> to vector<16xi32>
        %sign3A_375 = arith.constant 0 : i32
        %sign3A_376 = vector.broadcast %sign3A_375 : i32 to vector<16xi32>
        %sign3A_377 = arith.cmpi slt, %add3A_364, %sign3A_376 : vector<16xi32>
        %sign3A_378 = arith.extui %sign3A_377 : vector<16xi1> to vector<16xi32>
        %sign3A_379 = arith.subi %sign3A_374, %sign3A_378 : vector<16xi32>
        %sign3A_380 = arith.constant 0 : i32
        %sign3A_381 = arith.cmpi sgt, %jit3A_368, %sign3A_380 : i32
        %sign3A_382 = arith.extui %sign3A_381 : i1 to i32
        %sign3A_383 = arith.constant 0 : i32
        %sign3A_384 = arith.cmpi slt, %jit3A_368, %sign3A_383 : i32
        %sign3A_385 = arith.extui %sign3A_384 : i1 to i32
        %sign3A_386 = arith.subi %sign3A_382, %sign3A_385 : i32
        %ne3A_387 = vector.broadcast %sign3A_386 : i32 to vector<16xi32>
        %ne3A_388 = arith.cmpi ne, %sign3A_379, %ne3A_387 : vector<16xi32>
        %rem3A_389 = vector.broadcast %jit3A_368 : i32 to vector<16xi32>
        %rem3A_390 = arith.remsi %add3A_364, %rem3A_389 : vector<16xi32>
        %ne3A_391 = arith.constant 0 : i32
        %ne3A_392 = vector.broadcast %ne3A_391 : i32 to vector<16xi32>
        %ne3A_393 = arith.cmpi ne, %rem3A_390, %ne3A_392 : vector<16xi32>
        %and3A_394 = arith.andi %ne3A_388, %ne3A_393 : vector<16xi1>
        %sub3A_395 = arith.constant 1 : i32
        %sub3A_396 = vector.broadcast %sub3A_395 : i32 to vector<16xi32>
        %sub3A_397 = arith.subi %div3A_370, %sub3A_396 : vector<16xi32>
        %select_n3A_398 = arith.select %and3A_394, %sub3A_397, %div3A_370 : vector<16xi1>, vector<16xi32>
        %rem3A_399 = arith.constant 20 : i32
        %rem3A_400 = vector.broadcast %rem3A_399 : i32 to vector<16xi32>
        %rem3A_401 = arith.remsi %add3A_364, %rem3A_400 : vector<16xi32>
        %mul3A_402 = arith.constant 40 : i32
        %mul3A_403 = arith.muli %sub3A_259, %mul3A_402 : i32
        %add3A_404 = arith.constant 32 : i32
        %add3A_405 = arith.addi %mul3A_403, %add3A_404 : i32
        %get3A_406 = arith.index_cast %add3A_405 : i32 to index
        %get3A_407 = tpu.vector_load %arg5[%get3A_406] {strides = array<i32>} : memref<2560xi32, #tpu.memory_space<vmem>>, vector<16xi32>,
        %scatter3A_408 = arith.constant 0 : i32
        %scatter3A_409 = arith.constant 0 : i32
        %scatter3A_410 = arith.constant 0 : i32
        %scatter3A_411 = tpu.memref_slice %arg4[%rem3A_65, %scatter3A_408, %scatter3A_409, %scatter3A_410] : memref<2x2x20x1000xf32, #tpu.memory_space<vmem>> -> memref<1x2x20x1000xf32, #tpu.memory_space<vmem>>
        %scatter3A_412 = tpu.memref_squeeze %scatter3A_411 : memref<1x2x20x1000xf32, #tpu.memory_space<vmem>> -> memref<2x20x1000xf32, #tpu.memory_space<vmem>>
        tpu.vector_store_idx %scatter3A_412[%select_n3A_398, %rem3A_401, %get3A_407], %broadcast_in_dim3A_1 masked %lt3A_367 : memref<2x20x1000xf32, #tpu.memory_space<vmem>>[vector<16xi32>, vector<16xi32>, vector<16xi32>], vector<16xf32>, vector<16xi1>
      } else {
      }
      %add3A_68 = arith.constant 0 : i32
      %add3A_69 = vector.broadcast %add3A_68 : i32 to vector<16xi32>
      %add3A_70 = arith.addi %iota3A, %add3A_69 : vector<16xi32>
      %lt3A = arith.constant 40 : i32
      %lt3A_71 = vector.broadcast %lt3A : i32 to vector<16xi32>
      %lt3A_72 = arith.cmpi slt, %add3A_70, %lt3A_71 : vector<16xi32>
      %jit3A = arith.constant 20 : i32
      %div3A = vector.broadcast %jit3A : i32 to vector<16xi32>
      %div3A_73 = arith.divsi %add3A_70, %div3A : vector<16xi32>
      %sign3A = arith.constant 0 : i32
      %sign3A_74 = vector.broadcast %sign3A : i32 to vector<16xi32>
      %sign3A_75 = arith.cmpi sgt, %add3A_70, %sign3A_74 : vector<16xi32>
      %sign3A_76 = arith.extui %sign3A_75 : vector<16xi1> to vector<16xi32>
      %sign3A_77 = arith.constant 0 : i32
      %sign3A_78 = vector.broadcast %sign3A_77 : i32 to vector<16xi32>
      %sign3A_79 = arith.cmpi slt, %add3A_70, %sign3A_78 : vector<16xi32>
      %sign3A_80 = arith.extui %sign3A_79 : vector<16xi1> to vector<16xi32>
      %sign3A_81 = arith.subi %sign3A_76, %sign3A_80 : vector<16xi32>
      %sign3A_82 = arith.constant 0 : i32
      %sign3A_83 = arith.cmpi sgt, %jit3A, %sign3A_82 : i32
      %sign3A_84 = arith.extui %sign3A_83 : i1 to i32
      %sign3A_85 = arith.constant 0 : i32
      %sign3A_86 = arith.cmpi slt, %jit3A, %sign3A_85 : i32
      %sign3A_87 = arith.extui %sign3A_86 : i1 to i32
      %sign3A_88 = arith.subi %sign3A_84, %sign3A_87 : i32
      %ne3A = vector.broadcast %sign3A_88 : i32 to vector<16xi32>
      %ne3A_89 = arith.cmpi ne, %sign3A_81, %ne3A : vector<16xi32>
      %rem3A_90 = vector.broadcast %jit3A : i32 to vector<16xi32>
      %rem3A_91 = arith.remsi %add3A_70, %rem3A_90 : vector<16xi32>
      %ne3A_92 = arith.constant 0 : i32
      %ne3A_93 = vector.broadcast %ne3A_92 : i32 to vector<16xi32>
      %ne3A_94 = arith.cmpi ne, %rem3A_91, %ne3A_93 : vector<16xi32>
      %and3A = arith.andi %ne3A_89, %ne3A_94 : vector<16xi1>
      %sub3A = arith.constant 1 : i32
      %sub3A_95 = vector.broadcast %sub3A : i32 to vector<16xi32>
      %sub3A_96 = arith.subi %div3A_73, %sub3A_95 : vector<16xi32>
      %select_n3A = arith.select %and3A, %sub3A_96, %div3A_73 : vector<16xi1>, vector<16xi32>
      %rem3A_97 = arith.constant 20 : i32
      %rem3A_98 = vector.broadcast %rem3A_97 : i32 to vector<16xi32>
      %rem3A_99 = arith.remsi %add3A_70, %rem3A_98 : vector<16xi32>
      %mul3A_100 = arith.constant 40 : i32
      %mul3A_101 = arith.muli %scan3A_64, %mul3A_100 : i32
      %add3A_102 = arith.constant 0 : i32
      %add3A_103 = arith.addi %mul3A_101, %add3A_102 : i32
      %get3A = arith.index_cast %add3A_103 : i32 to index
      %get3A_104 = tpu.vector_load %arg5[%get3A] {strides = array<i32>} : memref<2560xi32, #tpu.memory_space<vmem>>, vector<16xi32>,
      %scatter3A = arith.constant 0 : i32
      %scatter3A_105 = arith.constant 0 : i32
      %scatter3A_106 = arith.constant 0 : i32
      %scatter3A_107 = tpu.memref_slice %arg4[%rem3A_65, %scatter3A, %scatter3A_105, %scatter3A_106] : memref<2x2x20x1000xf32, #tpu.memory_space<vmem>> -> memref<1x2x20x1000xf32, #tpu.memory_space<vmem>>
      %scatter3A_108 = tpu.memref_squeeze %scatter3A_107 : memref<1x2x20x1000xf32, #tpu.memory_space<vmem>> -> memref<2x20x1000xf32, #tpu.memory_space<vmem>>
      tpu.vector_store_idx %scatter3A_108[%select_n3A, %rem3A_99, %get3A_104], %broadcast_in_dim3A_3 masked %lt3A_72 : memref<2x20x1000xf32, #tpu.memory_space<vmem>>[vector<16xi32>, vector<16xi32>, vector<16xi32>], vector<16xf32>, vector<16xi1>
      %add3A_109 = arith.constant 16 : i32
      %add3A_110 = vector.broadcast %add3A_109 : i32 to vector<16xi32>
      %add3A_111 = arith.addi %iota3A, %add3A_110 : vector<16xi32>
      %lt3A_112 = arith.constant 40 : i32
      %lt3A_113 = vector.broadcast %lt3A_112 : i32 to vector<16xi32>
      %lt3A_114 = arith.cmpi slt, %add3A_111, %lt3A_113 : vector<16xi32>
      %jit3A_115 = arith.constant 20 : i32
      %div3A_116 = vector.broadcast %jit3A_115 : i32 to vector<16xi32>
      %div3A_117 = arith.divsi %add3A_111, %div3A_116 : vector<16xi32>
      %sign3A_118 = arith.constant 0 : i32
      %sign3A_119 = vector.broadcast %sign3A_118 : i32 to vector<16xi32>
      %sign3A_120 = arith.cmpi sgt, %add3A_111, %sign3A_119 : vector<16xi32>
      %sign3A_121 = arith.extui %sign3A_120 : vector<16xi1> to vector<16xi32>
      %sign3A_122 = arith.constant 0 : i32
      %sign3A_123 = vector.broadcast %sign3A_122 : i32 to vector<16xi32>
      %sign3A_124 = arith.cmpi slt, %add3A_111, %sign3A_123 : vector<16xi32>
      %sign3A_125 = arith.extui %sign3A_124 : vector<16xi1> to vector<16xi32>
      %sign3A_126 = arith.subi %sign3A_121, %sign3A_125 : vector<16xi32>
      %sign3A_127 = arith.constant 0 : i32
      %sign3A_128 = arith.cmpi sgt, %jit3A_115, %sign3A_127 : i32
      %sign3A_129 = arith.extui %sign3A_128 : i1 to i32
      %sign3A_130 = arith.constant 0 : i32
      %sign3A_131 = arith.cmpi slt, %jit3A_115, %sign3A_130 : i32
      %sign3A_132 = arith.extui %sign3A_131 : i1 to i32
      %sign3A_133 = arith.subi %sign3A_129, %sign3A_132 : i32
      %ne3A_134 = vector.broadcast %sign3A_133 : i32 to vector<16xi32>
      %ne3A_135 = arith.cmpi ne, %sign3A_126, %ne3A_134 : vector<16xi32>
      %rem3A_136 = vector.broadcast %jit3A_115 : i32 to vector<16xi32>
      %rem3A_137 = arith.remsi %add3A_111, %rem3A_136 : vector<16xi32>
      %ne3A_138 = arith.constant 0 : i32
      %ne3A_139 = vector.broadcast %ne3A_138 : i32 to vector<16xi32>
      %ne3A_140 = arith.cmpi ne, %rem3A_137, %ne3A_139 : vector<16xi32>
      %and3A_141 = arith.andi %ne3A_135, %ne3A_140 : vector<16xi1>
      %sub3A_142 = arith.constant 1 : i32
      %sub3A_143 = vector.broadcast %sub3A_142 : i32 to vector<16xi32>
      %sub3A_144 = arith.subi %div3A_117, %sub3A_143 : vector<16xi32>
      %select_n3A_145 = arith.select %and3A_141, %sub3A_144, %div3A_117 : vector<16xi1>, vector<16xi32>
      %rem3A_146 = arith.constant 20 : i32
      %rem3A_147 = vector.broadcast %rem3A_146 : i32 to vector<16xi32>
      %rem3A_148 = arith.remsi %add3A_111, %rem3A_147 : vector<16xi32>
      %mul3A_149 = arith.constant 40 : i32
      %mul3A_150 = arith.muli %scan3A_64, %mul3A_149 : i32
      %add3A_151 = arith.constant 16 : i32
      %add3A_152 = arith.addi %mul3A_150, %add3A_151 : i32
      %get3A_153 = arith.index_cast %add3A_152 : i32 to index
      %get3A_154 = tpu.vector_load %arg5[%get3A_153] {strides = array<i32>} : memref<2560xi32, #tpu.memory_space<vmem>>, vector<16xi32>,
      %scatter3A_155 = arith.constant 0 : i32
      %scatter3A_156 = arith.constant 0 : i32
      %scatter3A_157 = arith.constant 0 : i32
      %scatter3A_158 = tpu.memref_slice %arg4[%rem3A_65, %scatter3A_155, %scatter3A_156, %scatter3A_157] : memref<2x2x20x1000xf32, #tpu.memory_space<vmem>> -> memref<1x2x20x1000xf32, #tpu.memory_space<vmem>>
      %scatter3A_159 = tpu.memref_squeeze %scatter3A_158 : memref<1x2x20x1000xf32, #tpu.memory_space<vmem>> -> memref<2x20x1000xf32, #tpu.memory_space<vmem>>
      tpu.vector_store_idx %scatter3A_159[%select_n3A_145, %rem3A_148, %get3A_154], %broadcast_in_dim3A_3 masked %lt3A_114 : memref<2x20x1000xf32, #tpu.memory_space<vmem>>[vector<16xi32>, vector<16xi32>, vector<16xi32>], vector<16xf32>, vector<16xi1>
      %add3A_160 = arith.constant 32 : i32
      %add3A_161 = vector.broadcast %add3A_160 : i32 to vector<16xi32>
      %add3A_162 = arith.addi %iota3A, %add3A_161 : vector<16xi32>
      %lt3A_163 = arith.constant 40 : i32
      %lt3A_164 = vector.broadcast %lt3A_163 : i32 to vector<16xi32>
      %lt3A_165 = arith.cmpi slt, %add3A_162, %lt3A_164 : vector<16xi32>
      %jit3A_166 = arith.constant 20 : i32
      %div3A_167 = vector.broadcast %jit3A_166 : i32 to vector<16xi32>
      %div3A_168 = arith.divsi %add3A_162, %div3A_167 : vector<16xi32>
      %sign3A_169 = arith.constant 0 : i32
      %sign3A_170 = vector.broadcast %sign3A_169 : i32 to vector<16xi32>
      %sign3A_171 = arith.cmpi sgt, %add3A_162, %sign3A_170 : vector<16xi32>
      %sign3A_172 = arith.extui %sign3A_171 : vector<16xi1> to vector<16xi32>
      %sign3A_173 = arith.constant 0 : i32
      %sign3A_174 = vector.broadcast %sign3A_173 : i32 to vector<16xi32>
      %sign3A_175 = arith.cmpi slt, %add3A_162, %sign3A_174 : vector<16xi32>
      %sign3A_176 = arith.extui %sign3A_175 : vector<16xi1> to vector<16xi32>
      %sign3A_177 = arith.subi %sign3A_172, %sign3A_176 : vector<16xi32>
      %sign3A_178 = arith.constant 0 : i32
      %sign3A_179 = arith.cmpi sgt, %jit3A_166, %sign3A_178 : i32
      %sign3A_180 = arith.extui %sign3A_179 : i1 to i32
      %sign3A_181 = arith.constant 0 : i32
      %sign3A_182 = arith.cmpi slt, %jit3A_166, %sign3A_181 : i32
      %sign3A_183 = arith.extui %sign3A_182 : i1 to i32
      %sign3A_184 = arith.subi %sign3A_180, %sign3A_183 : i32
      %ne3A_185 = vector.broadcast %sign3A_184 : i32 to vector<16xi32>
      %ne3A_186 = arith.cmpi ne, %sign3A_177, %ne3A_185 : vector<16xi32>
      %rem3A_187 = vector.broadcast %jit3A_166 : i32 to vector<16xi32>
      %rem3A_188 = arith.remsi %add3A_162, %rem3A_187 : vector<16xi32>
      %ne3A_189 = arith.constant 0 : i32
      %ne3A_190 = vector.broadcast %ne3A_189 : i32 to vector<16xi32>
      %ne3A_191 = arith.cmpi ne, %rem3A_188, %ne3A_190 : vector<16xi32>
      %and3A_192 = arith.andi %ne3A_186, %ne3A_191 : vector<16xi1>
      %sub3A_193 = arith.constant 1 : i32
      %sub3A_194 = vector.broadcast %sub3A_193 : i32 to vector<16xi32>
      %sub3A_195 = arith.subi %div3A_168, %sub3A_194 : vector<16xi32>
      %select_n3A_196 = arith.select %and3A_192, %sub3A_195, %div3A_168 : vector<16xi1>, vector<16xi32>
      %rem3A_197 = arith.constant 20 : i32
      %rem3A_198 = vector.broadcast %rem3A_197 : i32 to vector<16xi32>
      %rem3A_199 = arith.remsi %add3A_162, %rem3A_198 : vector<16xi32>
      %mul3A_200 = arith.constant 40 : i32
      %mul3A_201 = arith.muli %scan3A_64, %mul3A_200 : i32
      %add3A_202 = arith.constant 32 : i32
      %add3A_203 = arith.addi %mul3A_201, %add3A_202 : i32
      %get3A_204 = arith.index_cast %add3A_203 : i32 to index
      %get3A_205 = tpu.vector_load %arg5[%get3A_204] {strides = array<i32>} : memref<2560xi32, #tpu.memory_space<vmem>>, vector<16xi32>,
      %scatter3A_206 = arith.constant 0 : i32
      %scatter3A_207 = arith.constant 0 : i32
      %scatter3A_208 = arith.constant 0 : i32
      %scatter3A_209 = tpu.memref_slice %arg4[%rem3A_65, %scatter3A_206, %scatter3A_207, %scatter3A_208] : memref<2x2x20x1000xf32, #tpu.memory_space<vmem>> -> memref<1x2x20x1000xf32, #tpu.memory_space<vmem>>
      %scatter3A_210 = tpu.memref_squeeze %scatter3A_209 : memref<1x2x20x1000xf32, #tpu.memory_space<vmem>> -> memref<2x20x1000xf32, #tpu.memory_space<vmem>>
      tpu.vector_store_idx %scatter3A_210[%select_n3A_196, %rem3A_199, %get3A_205], %broadcast_in_dim3A_3 masked %lt3A_165 : memref<2x20x1000xf32, #tpu.memory_space<vmem>>[vector<16xi32>, vector<16xi32>, vector<16xi32>], vector<16xf32>, vector<16xi1>
      %mul3A_211 = arith.constant 128 : i32
      %mul3A_212 = arith.muli %add3A, %mul3A_211 : i32
      %mul3A_213 = arith.constant 2 : i32
      %mul3A_214 = arith.muli %scan3A_64, %mul3A_213 : i32
      %add3A_215 = arith.addi %mul3A_212, %mul3A_214 : i32
      %dma_start3A = arith.constant 0 : i32
      %dma_start3A_216 = arith.constant 0 : i32
      %dma_start3A_217 = arith.constant 0 : i32
      %dma_start3A_218 = tpu.memref_slice %arg4[%rem3A_65, %dma_start3A, %dma_start3A_216, %dma_start3A_217] : memref<2x2x20x1000xf32, #tpu.memory_space<vmem>> -> memref<1x2x20x1000xf32, #tpu.memory_space<vmem>>
      %dma_start3A_219 = tpu.memref_squeeze %dma_start3A_218 : memref<1x2x20x1000xf32, #tpu.memory_space<vmem>> -> memref<2x20x1000xf32, #tpu.memory_space<vmem>>
      %dma_start3A_220 = arith.constant 0 : i32
      %dma_start3A_221 = arith.constant 0 : i32
      %dma_start3A_222 = tpu.memref_slice %arg3[%add3A_215, %dma_start3A_220, %dma_start3A_221] : memref<4096x20x1000xf32, #tpu.memory_space<hbm>> -> memref<2x20x1000xf32, #tpu.memory_space<hbm>>
      %dma_start3A_223 = tpu.memref_slice %arg6[%rem3A_65] : memref<2x!tpu.dma_semaphore, #tpu.memory_space<semaphore_mem>> -> memref<1x!tpu.dma_semaphore, #tpu.memory_space<semaphore_mem>>
      %dma_start3A_224 = tpu.memref_squeeze %dma_start3A_223 : memref<1x!tpu.dma_semaphore, #tpu.memory_space<semaphore_mem>> -> memref<!tpu.dma_semaphore, #tpu.memory_space<semaphore_mem>>
      %dma_start3A_225 = arith.constant 0 : i32
      %dma_start3A_226 = arith.constant 0 : i32
      %dma_start3A_227 = tpu.memref_slice %arg3[%add3A_215, %dma_start3A_225, %dma_start3A_226] : memref<4096x20x1000xf32, #tpu.memory_space<hbm>> -> memref<2x20x1000xf32, #tpu.memory_space<hbm>>
      %dma_start3A_228 = arith.constant 0 : i32
      %dma_start3A_229 = arith.constant 0 : i32
      %dma_start3A_230 = arith.constant 0 : i32
      %dma_start3A_231 = tpu.memref_slice %arg4[%rem3A_65, %dma_start3A_228, %dma_start3A_229, %dma_start3A_230] : memref<2x2x20x1000xf32, #tpu.memory_space<vmem>> -> memref<1x2x20x1000xf32, #tpu.memory_space<vmem>>
      %dma_start3A_232 = tpu.memref_squeeze %dma_start3A_231 : memref<1x2x20x1000xf32, #tpu.memory_space<vmem>> -> memref<2x20x1000xf32, #tpu.memory_space<vmem>>
      tpu.enqueue_dma source(%dma_start3A_232 : memref<2x20x1000xf32, #tpu.memory_space<vmem>>) target(%dma_start3A_227 : memref<2x20x1000xf32, #tpu.memory_space<hbm>>) target_semaphore(%dma_start3A_224 : memref<!tpu.dma_semaphore, #tpu.memory_space<semaphore_mem>>)
    }
    %scan3A_16 = arith.constant 64 : i32
    %mul3A_17 = arith.constant 128 : i32
    %mul3A_18 = arith.muli %add3A, %mul3A_17 : i32
    %add3A_19 = arith.constant 124 : i32
    %add3A_20 = arith.addi %mul3A_18, %add3A_19 : i32
    %dma_wait3A = arith.constant 0 : i32
    %dma_wait3A_21 = arith.constant 0 : i32
    %dma_wait3A_22 = arith.constant 0 : i32
    %dma_wait3A_23 = arith.constant 0 : i32
    %dma_wait3A_24 = arith.constant 0 : i32
    %dma_wait3A_25 = tpu.memref_slice %arg4[%dma_wait3A, %dma_wait3A_22, %dma_wait3A_23, %dma_wait3A_24] : memref<2x2x20x1000xf32, #tpu.memory_space<vmem>> -> memref<1x2x20x1000xf32, #tpu.memory_space<vmem>>
    %dma_wait3A_26 = tpu.memref_squeeze %dma_wait3A_25 : memref<1x2x20x1000xf32, #tpu.memory_space<vmem>> -> memref<2x20x1000xf32, #tpu.memory_space<vmem>>
    %dma_wait3A_27 = arith.constant 0 : i32
    %dma_wait3A_28 = arith.constant 0 : i32
    %dma_wait3A_29 = tpu.memref_slice %arg3[%add3A_20, %dma_wait3A_27, %dma_wait3A_28] : memref<4096x20x1000xf32, #tpu.memory_space<hbm>> -> memref<2x20x1000xf32, #tpu.memory_space<hbm>>
    %dma_wait3A_30 = tpu.memref_slice %arg6[%dma_wait3A_21] : memref<2x!tpu.dma_semaphore, #tpu.memory_space<semaphore_mem>> -> memref<1x!tpu.dma_semaphore, #tpu.memory_space<semaphore_mem>>
    %dma_wait3A_31 = tpu.memref_squeeze %dma_wait3A_30 : memref<1x!tpu.dma_semaphore, #tpu.memory_space<semaphore_mem>> -> memref<!tpu.dma_semaphore, #tpu.memory_space<semaphore_mem>>
    %dma_wait3A_32 = arith.constant 0 : i32
    %dma_wait3A_33 = arith.constant 0 : i32
    %dma_wait3A_34 = tpu.memref_slice %arg3[%add3A_20, %dma_wait3A_32, %dma_wait3A_33] : memref<4096x20x1000xf32, #tpu.memory_space<hbm>> -> memref<2x20x1000xf32, #tpu.memory_space<hbm>>
    %dma_wait3A_35 = arith.constant 0 : i32
    %dma_wait3A_36 = arith.constant 0 : i32
    %dma_wait3A_37 = arith.constant 0 : i32
    %dma_wait3A_38 = tpu.memref_slice %arg4[%dma_wait3A, %dma_wait3A_35, %dma_wait3A_36, %dma_wait3A_37] : memref<2x2x20x1000xf32, #tpu.memory_space<vmem>> -> memref<1x2x20x1000xf32, #tpu.memory_space<vmem>>
    %dma_wait3A_39 = tpu.memref_squeeze %dma_wait3A_38 : memref<1x2x20x1000xf32, #tpu.memory_space<vmem>> -> memref<2x20x1000xf32, #tpu.memory_space<vmem>>
    tpu.wait_dma2 semaphore(%dma_wait3A_31 : memref<!tpu.dma_semaphore, #tpu.memory_space<semaphore_mem>>) src(%dma_wait3A_39 : memref<2x20x1000xf32, #tpu.memory_space<vmem>>) dst(%dma_wait3A_34 : memref<2x20x1000xf32, #tpu.memory_space<hbm>>)
    %mul3A_40 = arith.constant 128 : i32
    %mul3A_41 = arith.muli %add3A, %mul3A_40 : i32
    %add3A_42 = arith.constant 126 : i32
    %add3A_43 = arith.addi %mul3A_41, %add3A_42 : i32
    %dma_wait3A_44 = arith.constant 1 : i32
    %dma_wait3A_45 = arith.constant 1 : i32
    %dma_wait3A_46 = arith.constant 0 : i32
    %dma_wait3A_47 = arith.constant 0 : i32
    %dma_wait3A_48 = arith.constant 0 : i32
    %dma_wait3A_49 = tpu.memref_slice %arg4[%dma_wait3A_44, %dma_wait3A_46, %dma_wait3A_47, %dma_wait3A_48] : memref<2x2x20x1000xf32, #tpu.memory_space<vmem>> -> memref<1x2x20x1000xf32, #tpu.memory_space<vmem>>
    %dma_wait3A_50 = tpu.memref_squeeze %dma_wait3A_49 : memref<1x2x20x1000xf32, #tpu.memory_space<vmem>> -> memref<2x20x1000xf32, #tpu.memory_space<vmem>>
    %dma_wait3A_51 = arith.constant 0 : i32
    %dma_wait3A_52 = arith.constant 0 : i32
    %dma_wait3A_53 = tpu.memref_slice %arg3[%add3A_43, %dma_wait3A_51, %dma_wait3A_52] : memref<4096x20x1000xf32, #tpu.memory_space<hbm>> -> memref<2x20x1000xf32, #tpu.memory_space<hbm>>
    %dma_wait3A_54 = tpu.memref_slice %arg6[%dma_wait3A_45] : memref<2x!tpu.dma_semaphore, #tpu.memory_space<semaphore_mem>> -> memref<1x!tpu.dma_semaphore, #tpu.memory_space<semaphore_mem>>
    %dma_wait3A_55 = tpu.memref_squeeze %dma_wait3A_54 : memref<1x!tpu.dma_semaphore, #tpu.memory_space<semaphore_mem>> -> memref<!tpu.dma_semaphore, #tpu.memory_space<semaphore_mem>>
    %dma_wait3A_56 = arith.constant 0 : i32
    %dma_wait3A_57 = arith.constant 0 : i32
    %dma_wait3A_58 = tpu.memref_slice %arg3[%add3A_43, %dma_wait3A_56, %dma_wait3A_57] : memref<4096x20x1000xf32, #tpu.memory_space<hbm>> -> memref<2x20x1000xf32, #tpu.memory_space<hbm>>
    %dma_wait3A_59 = arith.constant 0 : i32
    %dma_wait3A_60 = arith.constant 0 : i32
    %dma_wait3A_61 = arith.constant 0 : i32
    %dma_wait3A_62 = tpu.memref_slice %arg4[%dma_wait3A_44, %dma_wait3A_59, %dma_wait3A_60, %dma_wait3A_61] : memref<2x2x20x1000xf32, #tpu.memory_space<vmem>> -> memref<1x2x20x1000xf32, #tpu.memory_space<vmem>>
    %dma_wait3A_63 = tpu.memref_squeeze %dma_wait3A_62 : memref<1x2x20x1000xf32, #tpu.memory_space<vmem>> -> memref<2x20x1000xf32, #tpu.memory_space<vmem>>
    tpu.wait_dma2 semaphore(%dma_wait3A_55 : memref<!tpu.dma_semaphore, #tpu.memory_space<semaphore_mem>>) src(%dma_wait3A_63 : memref<2x20x1000xf32, #tpu.memory_space<vmem>>) dst(%dma_wait3A_58 : memref<2x20x1000xf32, #tpu.memory_space<hbm>>)
    return
  }
}

</mosaic_0001>

<sc_bundles>
// kernel: kernel.3.cloned.1.call-start
scs
__scs_entry_jumppad:
0x0: {  	(pc) =	sbr.rel $0x88, $3  }
0x1: {  	(tag) =	ssettag $0x0;
	lr =	simm.s32 $0x1  }
0x2: {  	[smem:$0x3FA0] =	sst lr;
	_ =	strace $0xD0000000  }
0x3: {  	_ = 	snop  }
0x4: {  	_ = 	snop  }
0x5: {  	_ = 	snop  }
0x6: {  	_ = 	snop  }
0x7: {  	_ = 	snop  }
__scs_overlays_trampoline_lowered:
0x8: {  	[smem:$0x3FAF] =	sst s0  }
0x9: {  	[smem:$0x3FB0] =	sst s1  }
0xa: {  	[smem:$0x3FB1] =	sst s2  }
0xb: {  	[smem:$0x3FB2] =	sst s3  }
0xc: {  	[smem:$0x3FB3] =	sst s4  }
0xd: {  	[smem:$0x3FB4] =	sst s5  }
0xe: {  	[smem:$0x3FB5] =	sst s6  }
0xf: {  	[smem:$0x3FB6] =	sst s7  }
0x10: {  	[smem:$0x3FB7] =	sst s8  }
0x11: {  	[smem:$0x3FB8] =	sst s9;
	s0 =	simm.s32 @!p0 $0x0  }
0x12: {  	s1 =	sld [smem:$0x3F9E];
	s0 =	simm.s32 @p0 $0x1  }
0x13: {  	[smem:$0x3FB9] =	sst s0;
	s0 =	simm.s32 @!p1 $0x0  }
0x14: {  	s2 =	sld [smem:$0x3F9D];
	s0 =	simm.s32 @p1 $0x1  }
0x15: {  	[smem:$0x3FBA] =	sst s0;
	s0 =	simm.s32 @!p2 $0x0  }
0x16: {  	s3 =	sld [smem:$0x3FDB];
	s0 =	simm.s32 @p2 $0x1  }
0x17: {  	s4 =	simm.s32 $0x1BF5;
	[smem:$0x3FBC] =	sst s0  }
0x18: {  	s0 =	sld [smem:$0x3F9F];
	_ =	swait.ge [sflag:s4], $0x0  }
0x19: {  	s7 =	sld [smem:$0x3FA0]  }
0x1a: {  	s8 =	sadd.s32 $0xFFFFE003, lr  }
0x1b: {  	s9 =	sadd.s32 $0xFFFFFEF7, lr;
	s5 =	simm.s32 $0xFFFFFFFF;
	p2 =	slt.u32 s8, $0xFFFFF086  }
0x1c: {  	p1 =	slt.u32 s9, $0xF7A;
	s5 =	simm.s32 @!p2 $0x0  }
0x1d: {  	s5 =	simm.s32 @p1 $0x1;
	p0 =	seq.s32 s7, s2  }
0x1e: {  	s7 =	smul.u32 @!p0 $0xF7A, s2;
	p2 =	seq.s32 @!p0 s5, $0x0  }
0x1f: {  	s9 =	smul.u32 $0xF7A, s1;
	s8 =	simm.s32 @!p0 $0x1BF5;
	p2 =	por !p2, p0  }
0x20: {  	[sflag:s8] =	ssyncset.s32 @!p0 $0xFFFFF086;
	s6 =	sadd.s32 @!p0 s3, s7;
	s7 =	simm.s32 @!p0 $0x108  }
0x21: {  	s3 =	sadd.s32 s3, s9;
	s6 =	sadd.s32 @!p0 $0x88, s6;
	s7 =	simm.s32 @p2 $0x1082  }
0x22: {  	[simem:s7], [sflag:s8] =	dma.local @!p0 [hbm:s6], $0xF7A  }
0x23: {  	s9 =	sor.u32 $0xD0000000, s2;
	s6 =	simm.s32 $0x108;
	_ =	swait.ge @!p0 [sflag:s8], $0x0  }
0x24: {  	s3 =	sadd.s32 $0x88, s3;
	s6 =	simm.s32 @!p1 $0x1082;
	[sflag:s4] =	ssyncset.s32 $0xFFFFF086  }
0x25: {  	[simem:s6], [sflag:s4] =	dma.local [hbm:s3], $0xF7A  }
0x26: {  	[smem:$0x3FA0] =	sst s1;
	(tag) =	ssettag s2;
	_ =	strace s9  }
0x27: {  	s1 =	sld [smem:$0x3FB0]  }
0x28: {  	s2 =	sld [smem:$0x3FB1]  }
0x29: {  	s4 =	sld [smem:$0x3FB3]  }
0x2a: {  	p0 =	seq.s32 s5, $0x0;
	s5 =	sld [smem:$0x3FB4]  }
0x2b: {  	s6 =	sld [smem:$0x3FB5]  }
0x2c: {  	s7 =	sld [smem:$0x3FB6]  }
0x2d: {  	s3 =	simm.s32 $0x108;
	s8 =	sld [smem:$0x3FB7]  }
0x2e: {  	s3 =	simm.s32 @!p0 $0x1082;
	s9 =	sld [smem:$0x3FB8]  }
0x2f: {  	lr =	sadd.s32 s0, s3;
	s0 =	sld [smem:$0x3FAF]  }
0x30: {  	s3 =	sld [smem:$0x3FB2]  }
0x31: {  	[smem:$0x3FBB] =	sst s10  }
0x32: {  	s10 =	sld [smem:$0x3FB9];
	_ =	sdelay $0x3  }
0x33: {  	p0 =	seq.s32 s10, $0x1;
	s10 =	sld [smem:$0x3FBB];
	_ =	sdelay $0x3  }
0x34: {  	[smem:$0x3FBB] =	sst s10  }
0x35: {  	s10 =	sld [smem:$0x3FBA];
	_ =	sdelay $0x3  }
0x36: {  	p1 =	seq.s32 s10, $0x1;
	s10 =	sld [smem:$0x3FBB];
	_ =	sdelay $0x3  }
0x37: {  	[smem:$0x3FBB] =	sst s10  }
0x38: {  	s10 =	sld [smem:$0x3FBC]  }
0x39: {  	_ = 	snop;
	(pc) =	sbr.ind lr, $3  }
0x3a: {  	_ = 	snop  }
0x3b: {  	_ = 	snop  }
0x3c: {  	p2 =	seq.s32 s10, $0x1;
	s10 =	sld [smem:$0x3FBB]  }
0x3d: {  	_ =	shalt  }
0x3e: {  	_ =	shalt  }
0x3f: {  	_ =	shalt  }
0x40: {  	_ =	shalt  }
0x41: {  	_ =	shalt  }
0x42: {  	_ =	shalt  }
0x43: {  	_ =	shalt  }
0x44: {  	_ =	shalt  }
0x45: {  	_ =	shalt  }
0x46: {  	_ =	shalt  }
0x47: {  	_ =	shalt  }
0x48: {  	_ =	shalt  }
0x49: {  	_ =	shalt  }
0x4a: {  	_ =	shalt  }
0x4b: {  	_ =	shalt  }
0x4c: {  	_ =	shalt  }
0x4d: {  	_ =	shalt  }
0x4e: {  	_ =	shalt  }
0x4f: {  	_ =	shalt  }
0x50: {  	_ =	shalt  }
0x51: {  	_ =	shalt  }
0x52: {  	_ =	shalt  }
0x53: {  	_ =	shalt  }
0x54: {  	_ =	shalt  }
0x55: {  	_ =	shalt  }
0x56: {  	_ =	shalt  }
0x57: {  	_ =	shalt  }
0x58: {  	_ =	shalt  }
0x59: {  	_ =	shalt  }
0x5a: {  	_ =	shalt  }
0x5b: {  	_ =	shalt  }
0x5c: {  	_ =	shalt  }
0x5d: {  	_ =	shalt  }
0x5e: {  	_ =	shalt  }
0x5f: {  	_ =	shalt  }
0x60: {  	_ =	shalt  }
0x61: {  	_ =	shalt  }
0x62: {  	_ =	shalt  }
0x63: {  	_ =	shalt  }
0x64: {  	_ =	shalt  }
0x65: {  	_ =	shalt  }
0x66: {  	_ =	shalt  }
0x67: {  	_ =	shalt  }
0x68: {  	_ =	shalt  }
0x69: {  	_ =	shalt  }
0x6a: {  	_ =	shalt  }
0x6b: {  	_ =	shalt  }
0x6c: {  	_ =	shalt  }
0x6d: {  	_ =	shalt  }
0x6e: {  	_ =	shalt  }
0x6f: {  	_ =	shalt  }
0x70: {  	_ =	shalt  }
0x71: {  	_ =	shalt  }
0x72: {  	_ =	shalt  }
0x73: {  	_ =	shalt  }
0x74: {  	_ =	shalt  }
0x75: {  	_ =	shalt  }
0x76: {  	_ =	shalt  }
0x77: {  	_ =	shalt  }
0x78: {  	_ =	shalt  }
0x79: {  	_ =	shalt  }
0x7a: {  	_ =	shalt  }
0x7b: {  	_ =	shalt  }
0x7c: {  	_ =	shalt  }
0x7d: {  	_ =	shalt  }
0x7e: {  	_ =	shalt  }
0x7f: {  	_ =	shalt  }
0x80: {  	_ =	shalt  }
0x81: {  	_ =	shalt  }
0x82: {  	_ =	shalt  }
0x83: {  	_ =	shalt  }
0x84: {  	_ =	shalt  }
0x85: {  	_ =	shalt  }
0x86: {  	_ =	shalt  }
0x87: {  	_ =	shalt  }
.Lfunc_end0:
.L_simem_size_0:
called_computation_lowered:
.L_overlay_start_0:
0x88: {  	s2 =	sld [smem:$0x3FD9]  }
0x89: {  	s3 =	sld [smem:$0x3FFE];
	_ =	sdelay $0x1  }
0x8a: {  	s1 =	srdreg.scid  }
0x8b: {  	s0 =	sand.u32 $0x1, s1  }
0x8c: {  	s17 =	sshll.u32 s0, $0xA;
	s2 =	sadd.s32 s3, s2  }
0x8d: {  	s2 =	sadd.s32 s2, s17  }
0x8e: {  	[smem:$0x3FC7] =	sst s2  }
0x8f: {  	_ = 	snop  }
0x90: {  	s2 =	sld [smem:$0x3FD0];
	(tm) =	ssettm $0x1  }
0x91: {  	s18 =	sld [smem:$0x3FFB];
	_ =	sdelay $0x3  }
0x92: {  	_ =	strace s18  }
0x93: {  	s3 =	sld [smem:$0x3FFC];
	_ =	sdelay $0x3  }
0x94: {  	_ =	strace s3  }
0x95: {  	s3 =	sld [smem:$0x3FFD];
	_ =	sdelay $0x3  }
0x96: {  	_ =	strace s3  }
0x97: {  	_ =	strace $0x8FFFFFFF  }
0x98: {  	s19 =	sld [smem:$0x3FDB];
	_ =	sdelay $0x1  }
0x99: {  	s4 =	simm.s32 $_scs_section_size  }
0x9a: {  	s5 =	simm.s32 $_size__tile_overlayer_lowered;
	s6 =	simm.s32 $_tile_overlayer_lowered  }
0x9b: {  	s22 =	simm.s32 $0x1BFF;
	s21 =	sshll.u32 s6, $0x1;
	s3 =	sadd.s32 s4, s19  }
0x9c: {  	s7 =	simm.s32 $0x0;
	s20 =	sshll.u32 s5, $0x1;
	s5 =	sadd.s32 s21, s3  }
0x9d: {  	[timem:s7], [sflag:s22] =	dma.local [hbm:s5], s20  }
0x9e: {  	_ =	swait.ge [sflag:s22], s20  }
0x9f: {  	s4 =	ssub.s32 $0x0, s20;
	[sflag:s22] =	ssyncset.done $0x0  }
0xa0: {  	[sflag:s22] =	ssyncadd.s32 s4;
	_ =	sdelay $0x1  }
0xa1: {  	s23 =	simm.s32 $0x1B8B  }
0xa2: {  	_ =	swait.ge [sflag:s23], $0x1  }
0xa3: {  	[sflag:s23] =	ssyncset.done $0x0  }
0xa4: {  	s25 =	simm.s32 $0x1B8E;
	s24 =	sld [smem:$0x3FFE];
	[sflag:s23] =	ssyncadd.s32 $0xFFFFFFFF  }
0xa5: {  	s26 =	simm.s32 $execute0_lowered;
	[smem:$0x3FD2] =	sst s25  }
0xa6: {  	s5 =	sshll.u32 s26, $0x1;
	_ =	strace $0x80000046;
	[dreg:$0x1] =	wrdreg $0xFFFFFFFF  }
0xa7: {  	s28 =	simm.s32 $_size_execute0_lowered;
	s3 =	sadd.s32 s3, s5;
	[dreg:$0x0] =	wrdreg $0x0  }
0xa8: {  	s5 =	sshll.u32 s28, $0x1;
	[dreg:$0x2] =	wrdreg s3  }
0xa9: {  	[dreg:$0x3] =	wrdreg s5  }
0xaa: {  	[dreg:$0x4] =	wrdreg $0xC0  }
0xab: {  	_ =	task [dreg:s7], $0x5FFFF  }
0xac: {  	[dreg:$0x1] =	wrdreg $0xFFFFFFFF  }
0xad: {  	[dreg:$0x0] =	wrdreg $0x60  }
0xae: {  	[dreg:$0x2] =	wrdreg s2  }
0xaf: {  	[dreg:$0x3] =	wrdreg s24  }
0xb0: {  	[dreg:$0x4] =	wrdreg $0x9  }
0xb1: {  	_ =	task.clear_ibuf [dreg:s7], $0x5FFFF;
	_ =	strace $0x90000046  }
0xb2: {  	s29 =	simm.s32 $0x9;
	_ =	strace $0x80000048  }
0xb3: {  	_ =	swait.ge [sflag:s29], $0x1  }
0xb4: {  	[sflag:s29] =	ssyncadd.s32 $0xFFFFFFFF  }
0xb5: {  	_ =	strace $0x90000048  }
0xb6: {  	_ =	sfence  }
0xb7: {  	s30 =	sld [smem:$0x0];
	_ =	sdelay $0x2  }
0xb8: {  	s31 =	sshll.u32 s1, $0xD;
	s1 =	sshrl.u32 s1, $0x2  }
0xb9: {  	s3 =	sand.u32 $0x4000, s31;
	s1 =	sadd.s32 s1, s30  }
0xba: {  	s0 =	sor.u32 s3, s0;
	s1 =	sshll.u32 s1, $0x11  }
0xbb: {  	s0 =	sor.u32 s1, s0  }
0xbc: {  	s0 =	sadd.s32 $0x8F2B, s0  }
0xbd: {  	[sflag:s0] =	ssyncadd.remote.s32 $0x1  }
0xbe: {  	_ =	sfence.sel $0xFFFF  }
0xbf: {  	[dreg:$0x0] =	wrdreg $0xFFFFFFFF;
	(pc) =	sbr.abs _section_cstart, $3  }
0xc0: {  	[dreg:$0x1] =	wrdreg $0xFFFFFFFF  }
0xc1: {  	_ =	task.clear_ibuf [dreg:s7], $0x2FFFF;
	_ =	strace $0x9FFFFFFF  }
0xc2: {  	(tm) =	ssettm $0x7FFFFFFF  }
0xc3: {  	_ =	shalt  }
tec
execute0_lowered:
.L_overlay_start_1:
0x0: {  	(tag) =	ssettag $0x1  }
0x1: {  	v0 =	vimm.s32 $0x2380;
	vm1 =	vcmask $0x300  }
0x2: {  	vm2 =	vcmask $0x704;
	vm4 =	vcmask $0xB08;
	vm5 =	vcmask $0xF0C  }
0x3: {  	vm6 =	vcmask $0x1310;
	vm7 =	vcmask $0x1714;
	vm8 =	vcmask $0x1B18  }
0x4: {  	vm3 =	vcmask $0x1F1C;
	v2 =	vimm.s32 $0x8180;
	v3 =	vimm.s32 $0xC380  }
0x5: {  	vm0 =	vcmask $0x2320;
	vm10 =	vcmask $0x2724;
	vm11 =	vcmask $0x2B28  }
0x6: {  	vm12 =	vcmask $0x2F2C;
	vm13 =	vcmask $0x3330;
	vm14 =	vcmask $0x3734  }
0x7: {  	vm15 =	vcmask $0x3B38;
	v4 =	vimm.f32 $1.000000000e+00;
	v0 =	vsel vm1, $0x0, v0  }
0x8: {  	v2 =	vsel vm1, $0x4000, v2;
	v3 =	vsel vm1, $0x8200, v3;
	v0 =	vsel vm2, $0x80, v0  }
0x9: {  	v2 =	vsel vm2, $0x4080, v2;
	v3 =	vsel vm2, $0x8280, v3;
	v0 =	vsel vm4, $0x100, v0  }
0xa: {  	v2 =	vsel vm4, $0x4100, v2;
	v3 =	vsel vm4, $0x8300, v3;
	v0 =	vsel vm5, $0x180, v0  }
0xb: {  	v2 =	vsel vm5, $0x4180, v2;
	v3 =	vsel vm5, $0x8380, v3;
	v0 =	vsel vm6, $0x200, v0  }
0xc: {  	v2 =	vsel vm6, $0x6000, v2;
	v3 =	vsel vm6, $0xA000, v3;
	v1 =	vsel vm7, $0x280, v0  }
0xd: {  	s3 =	rddreg [dreg:$0x0];
	v0 =	vimm.f32 $0.0e+00;
	v2 =	vsel vm7, $0x6080, v2;
	v3 =	vsel vm7, $0xA080, v3  }
0xe: {  	s0 =	stileid.u32;
	s1 =	srdreg.scid;
	v1 =	vsel vm8, $0x300, v1;
	v2 =	vsel vm8, $0x6100, v2;
	v3 =	vsel vm8, $0xA100, v3  }
0xf: {  	s4 =	rddreg [dreg:$0x1];
	s5 =	sand.u32 $0x1, s1;
	s2 =	sshll.u32 s0, $0x1;
	v1 =	vsel vm3, $0x380, v1;
	v2 =	vsel vm3, $0x6180, v2;
	v3 =	vsel vm3, $0xA180, v3  }
0x10: {  	s1 =	rddreg [dreg:$0x2];
	s6 =	smul.u32 $0xC0000, s0;
	s7 =	sor.u32 s5, s2;
	v1 =	vsel vm0, $0x2000, v1;
	v2 =	vsel vm0, $0x6200, v2;
	v3 =	vsel vm0, $0xC000, v3  }
0x11: {  	s2 =	simm.s32 $0x0;
	s8 =	ssub.s32 $0x2, s5;
	s5 =	smul.u32 $0x60000, s5;
	v1 =	vsel vm10, $0x2080, v1;
	v2 =	vsel vm10, $0x6280, v2;
	v3 =	vsel vm10, $0xC080, v3  }
0x12: {  	s10 =	simm.s32 $0x0;
	s7 =	smul.u32 $0x140, s7;
	[smem:$0x7FF] =	sst s2;
	v1 =	vsel vm11, $0x2100, v1;
	v2 =	vsel vm11, $0x6300, v2;
	v3 =	vsel vm11, $0xC100, v3  }
0x13: {  	s9 =	sshrl.u32 s8, $0x1;
	s6 =	sadd.s32 s6, s4;
	_ =	strace $0x80000047;
	v1 =	vsel vm12, $0x2180, v1;
	v2 =	vsel vm12, $0x6380, v2;
	v3 =	vsel vm12, $0xC180, v3  }
0x14: {  	s31 =	ssub.s32 s8, s9;
	s5 =	sadd.s32 s5, s6;
	s6 =	simm.s32 $0x18000;
	v1 =	vsel vm13, $0x2200, v1;
	v2 =	vsel vm13, $0x8000, v2;
	v3 =	vsel vm13, $0xC200, v3  }
0x15: {  	s8 =	simm.s32 $0x1;
	s9 =	simm.s32 $0x2;
	s3 =	sadd.s32 s3, s7;
	v1 =	vsel vm14, $0x2280, v1;
	v2 =	vsel vm14, $0x8080, v2;
	v3 =	vsel vm14, $0xC280, v3  }
0x16: {  	s4 =	smax.u32 s31, $0x1;
	s5 =	sadd.s32 $0x400, s5;
	s7 =	simm.s32 $0x3;
	v1 =	vsel vm15, $0x2300, v1;
	v2 =	vsel vm15, $0x8100, v2;
	v3 =	vsel vm15, $0xC300, v3  }
.LBB2_1:
0x17: {  	[tilespmem:s6], [sflag:$0x3] =	stream.linear.gather [hbm4b:s3+s2], $0xA00, $0x38;
	[tilespmem:$0x18A00] =	vst v63  }
0x18: {  	s11 =	simm.s32 $0xFFFFFFD8;
	s12 =	smul.u32 $0xCD, s2  }
0x19: {  	s11 =	smin.u32 s2, s11  }
0x1a: {  	s11 =	smulhi.u32 $0xCCCCCCCD, s11;
	s12 =	sshrl.u32 s12, $0xC  }
0x1b: {  	s12 =	sand.u32 $0xF, s12  }
0x1c: {  	s11 =	sshrl.u32 s11, $0x4;
	s12 =	smul.u32 $0x14, s12  }
0x1d: {  	p0 =	por $0x0, $0x0;
	s11 =	smul.u32 $0x18000, s11  }
0x1e: {  	s13 =	simm.s32 $0xC000;
	_ =	swait.ge [sflag:s7], $0xA00;
	s12 =	ssub.s32 $0x0, s12  }
0x1f: {  	s13 =	simm.s32 @!p0 $0x0;
	s14 =	sshll.u32 s12, $0xA;
	s11 =	sshra.s32 s11, $0x2  }
0x20: {  	s12 =	sshll.u32 s12, $0x7;
	s14 =	sand.u32 $0x6000, s14;
	s11 =	sadd.s32 s11, s13  }
0x21: {  	[sflag:s7] =	ssyncset.done $0x0;
	s12 =	sand.u32 $0x380, s12;
	s11 =	sadd.s32 s14, s11  }
0x22: {  	[sflag:s7] =	ssyncadd.s32 $0xFFFFF600;
	s11 =	sor.u32 s12, s11  }
0x23: {  	[tilespmem:s11+$0x1C50] =	vst v0  }
0x24: {  	[tilespmem:s11+$0x0] =	vst v0  }
0x25: {  	[tilespmem:s11+$0x10] =	vst v0  }
0x26: {  	[tilespmem:s11+$0x20] =	vst v0  }
0x27: {  	[tilespmem:s11+$0x30] =	vst v0  }
0x28: {  	[tilespmem:s11+$0x40] =	vst v0  }
0x29: {  	[tilespmem:s11+$0x50] =	vst v0  }
0x2a: {  	[tilespmem:s11+$0x60] =	vst v0  }
0x2b: {  	[tilespmem:s11+$0x70] =	vst v0  }
0x2c: {  	[tilespmem:s11+$0x400] =	vst v0  }
0x2d: {  	[tilespmem:s11+$0x410] =	vst v0  }
0x2e: {  	[tilespmem:s11+$0x420] =	vst v0  }
0x2f: {  	[tilespmem:s11+$0x430] =	vst v0  }
0x30: {  	[tilespmem:s11+$0x440] =	vst v0  }
0x31: {  	[tilespmem:s11+$0x450] =	vst v0  }
0x32: {  	[tilespmem:s11+$0x460] =	vst v0  }
0x33: {  	[tilespmem:s11+$0x470] =	vst v0  }
0x34: {  	[tilespmem:s11+$0x800] =	vst v0  }
0x35: {  	[tilespmem:s11+$0x810] =	vst v0  }
0x36: {  	[tilespmem:s11+$0x820] =	vst v0  }
0x37: {  	[tilespmem:s11+$0x830] =	vst v0  }
0x38: {  	[tilespmem:s11+$0x840] =	vst v0  }
0x39: {  	[tilespmem:s11+$0x850] =	vst v0  }
0x3a: {  	[tilespmem:s11+$0x860] =	vst v0  }
0x3b: {  	[tilespmem:s11+$0x870] =	vst v0  }
0x3c: {  	[tilespmem:s11+$0xC00] =	vst v0  }
0x3d: {  	[tilespmem:s11+$0xC10] =	vst v0  }
0x3e: {  	[tilespmem:s11+$0xC20] =	vst v0  }
0x3f: {  	[tilespmem:s11+$0xC30] =	vst v0  }
0x40: {  	[tilespmem:s11+$0xC40] =	vst v0  }
0x41: {  	[tilespmem:s11+$0xC50] =	vst v0  }
0x42: {  	[tilespmem:s11+$0xC60] =	vst v0  }
0x43: {  	[tilespmem:s11+$0xC70] =	vst v0  }
0x44: {  	[tilespmem:s11+$0x1000] =	vst v0  }
0x45: {  	[tilespmem:s11+$0x1010] =	vst v0  }
0x46: {  	[tilespmem:s11+$0x1020] =	vst v0  }
0x47: {  	[tilespmem:s11+$0x1030] =	vst v0  }
0x48: {  	[tilespmem:s11+$0x1040] =	vst v0  }
0x49: {  	[tilespmem:s11+$0x1050] =	vst v0  }
0x4a: {  	[tilespmem:s11+$0x1060] =	vst v0  }
0x4b: {  	[tilespmem:s11+$0x1070] =	vst v0  }
0x4c: {  	[tilespmem:s11+$0x1400] =	vst v0  }
0x4d: {  	[tilespmem:s11+$0x1410] =	vst v0  }
0x4e: {  	[tilespmem:s11+$0x1420] =	vst v0  }
0x4f: {  	[tilespmem:s11+$0x1430] =	vst v0  }
0x50: {  	[tilespmem:s11+$0x1440] =	vst v0  }
0x51: {  	[tilespmem:s11+$0x1450] =	vst v0  }
0x52: {  	[tilespmem:s11+$0x1460] =	vst v0  }
0x53: {  	[tilespmem:s11+$0x1470] =	vst v0  }
0x54: {  	[tilespmem:s11+$0x1800] =	vst v0  }
0x55: {  	[tilespmem:s11+$0x1810] =	vst v0  }
0x56: {  	s12 =	simm.s32 $0x1;
	[tilespmem:s11+$0x1820] =	vst v0  }
0x57: {  	s31 =	simm.s32 $0xFFFFFFD9;
	s14 =	smul.u32 $0xCD, s12;
	[tilespmem:s11+$0x1830] =	vst v0  }
0x58: {  	s13 =	simm.s32 $0x2;
	s15 =	smin.u32 s12, s31;
	[tilespmem:s11+$0x1C58] =	vst v0  }
.LBB2_2:
0x59: {  	p0 =	sne.s32 s13, $0x4F;
	s15 =	smulhi.u32 $0xCCCCCCCD, s15;
	s14 =	sshrl.u32 s14, $0xC;
	[tilespmem:s11+$0x1840] =	vst v0  }
0x5a: {  	s14 =	sand.u32 $0xF, s14;
	[tilespmem:s11+$0x1850] =	vst v0  }
0x5b: {  	s15 =	sshrl.u32 s15, $0x4;
	s14 =	smul.u32 $0x14, s14;
	[tilespmem:s11+$0x1860] =	vst v0  }
0x5c: {  	p1 =	sgt.u32 s12, $0x27;
	s15 =	smul.u32 $0x18000, s15;
	[tilespmem:s11+$0x1870] =	vst v0  }
0x5d: {  	s16 =	simm.s32 $0xC000;
	s14 =	ssub.s32 s12, s14;
	[tilespmem:s11+$0x1C00] =	vst v0;
	s12 =	smov.u32 s13  }
0x5e: {  	s16 =	simm.s32 @!p1 $0x0;
	s17 =	sshll.u32 s14, $0xA;
	s15 =	sshra.s32 s15, $0x2;
	[tilespmem:s11+$0x1C10] =	vst v0  }
0x5f: {  	s14 =	sshll.u32 s14, $0x7;
	s17 =	sand.u32 $0x6000, s17;
	s15 =	sadd.s32 s15, s16;
	[tilespmem:s11+$0x1C20] =	vst v0  }
0x60: {  	s14 =	sand.u32 $0x380, s14;
	s15 =	sadd.s32 s17, s15;
	[tilespmem:s11+$0x1C30] =	vst v0  }
0x61: {  	[tilespmem:s11+$0x1C40] =	vst v0;
	s11 =	sor.u32 s14, s15  }
0x62: {  	[tilespmem:s11+$0x1C50] =	vst v0  }
0x63: {  	[tilespmem:s11+$0x1C58] =	vst v0  }
0x64: {  	[tilespmem:s11+$0x0] =	vst v0  }
0x65: {  	[tilespmem:s11+$0x10] =	vst v0  }
0x66: {  	[tilespmem:s11+$0x20] =	vst v0  }
0x67: {  	[tilespmem:s11+$0x30] =	vst v0  }
0x68: {  	[tilespmem:s11+$0x40] =	vst v0  }
0x69: {  	[tilespmem:s11+$0x50] =	vst v0  }
0x6a: {  	[tilespmem:s11+$0x60] =	vst v0  }
0x6b: {  	[tilespmem:s11+$0x70] =	vst v0  }
0x6c: {  	[tilespmem:s11+$0x400] =	vst v0  }
0x6d: {  	[tilespmem:s11+$0x410] =	vst v0  }
0x6e: {  	[tilespmem:s11+$0x420] =	vst v0  }
0x6f: {  	[tilespmem:s11+$0x430] =	vst v0  }
0x70: {  	[tilespmem:s11+$0x440] =	vst v0  }
0x71: {  	[tilespmem:s11+$0x450] =	vst v0  }
0x72: {  	[tilespmem:s11+$0x460] =	vst v0  }
0x73: {  	[tilespmem:s11+$0x470] =	vst v0  }
0x74: {  	[tilespmem:s11+$0x800] =	vst v0  }
0x75: {  	[tilespmem:s11+$0x810] =	vst v0  }
0x76: {  	[tilespmem:s11+$0x820] =	vst v0  }
0x77: {  	[tilespmem:s11+$0x830] =	vst v0  }
0x78: {  	[tilespmem:s11+$0x840] =	vst v0  }
0x79: {  	[tilespmem:s11+$0x850] =	vst v0  }
0x7a: {  	[tilespmem:s11+$0x860] =	vst v0  }
0x7b: {  	[tilespmem:s11+$0x870] =	vst v0  }
0x7c: {  	[tilespmem:s11+$0xC00] =	vst v0  }
0x7d: {  	[tilespmem:s11+$0xC10] =	vst v0  }
0x7e: {  	[tilespmem:s11+$0xC20] =	vst v0  }
0x7f: {  	[tilespmem:s11+$0xC30] =	vst v0  }
0x80: {  	[tilespmem:s11+$0xC40] =	vst v0  }
0x81: {  	[tilespmem:s11+$0xC50] =	vst v0  }
0x82: {  	[tilespmem:s11+$0xC60] =	vst v0  }
0x83: {  	[tilespmem:s11+$0xC70] =	vst v0  }
0x84: {  	[tilespmem:s11+$0x1000] =	vst v0  }
0x85: {  	[tilespmem:s11+$0x1010] =	vst v0  }
0x86: {  	[tilespmem:s11+$0x1020] =	vst v0  }
0x87: {  	[tilespmem:s11+$0x1030] =	vst v0  }
0x88: {  	[tilespmem:s11+$0x1040] =	vst v0  }
0x89: {  	[tilespmem:s11+$0x1050] =	vst v0  }
0x8a: {  	[tilespmem:s11+$0x1060] =	vst v0  }
0x8b: {  	[tilespmem:s11+$0x1070] =	vst v0  }
0x8c: {  	[tilespmem:s11+$0x1400] =	vst v0  }
0x8d: {  	[tilespmem:s11+$0x1410] =	vst v0  }
0x8e: {  	[tilespmem:s11+$0x1420] =	vst v0  }
0x8f: {  	[tilespmem:s11+$0x1430] =	vst v0  }
0x90: {  	[tilespmem:s11+$0x1440] =	vst v0  }
0x91: {  	[tilespmem:s11+$0x1450] =	vst v0  }
0x92: {  	[tilespmem:s11+$0x1460] =	vst v0  }
.Ltmp0:
0x93: {  	[tilespmem:s11+$0x1470] =	vst v0;
	(pc) =	sbr.rel @p0 .LBB2_2-.Ltmp0, $4  }
0x94: {  	[tilespmem:s11+$0x1800] =	vst v0  }
0x95: {  	[tilespmem:s11+$0x1810] =	vst v0  }
0x96: {  	s15 =	sadd.s32 $0xFFFFFFD8, s13;
	s14 =	smul.u32 $0xCD, s13;
	[tilespmem:s11+$0x1820] =	vst v0  }
0x97: {  	s13 =	sadd.s32 $0x1, s13;
	s15 =	smin.u32 s12, s15;
	[tilespmem:s11+$0x1830] =	vst v0  }
0x98: {  	s13 =	smulhi.u32 $0xCCCCCCCD, s15;
	s14 =	sshrl.u32 s14, $0xC;
	[tilespmem:s11+$0x1840] =	vst v0  }
0x99: {  	[tilespmem:s11+$0x1850] =	vst v0;
	s14 =	sand.u32 $0xF, s14  }
0x9a: {  	[tilespmem:s11+$0x1860] =	vst v0;
	s13 =	sshrl.u32 s13, $0x4;
	s14 =	smul.u32 $0x14, s14  }
0x9b: {  	[tilespmem:s11+$0x1870] =	vst v0;
	s13 =	smul.u32 $0x18000, s13  }
0x9c: {  	p0 =	sgt.u32 s12, $0x27;
	[tilespmem:s11+$0x1C00] =	vst v0;
	s30 =	ssub.s32 s12, s14;
	s14 =	simm.s32 $0xC000  }
0x9d: {  	[tilespmem:s11+$0x1C10] =	vst v0;
	s14 =	simm.s32 @!p0 $0x0;
	s31 =	sshll.u32 s30, $0xA;
	s13 =	sshra.s32 s13, $0x2  }
0x9e: {  	[tilespmem:s11+$0x1C20] =	vst v0;
	s12 =	sshll.u32 s30, $0x7;
	s15 =	sand.u32 $0x6000, s31;
	s13 =	sadd.s32 s13, s14  }
0x9f: {  	[tilespmem:s11+$0x1C30] =	vst v0;
	s12 =	sand.u32 $0x380, s12;
	s13 =	sadd.s32 s15, s13  }
0xa0: {  	[tilespmem:s11+$0x1C40] =	vst v0;
	s12 =	sor.u32 s12, s13  }
0xa1: {  	[tilespmem:s12+$0x1C50] =	vst v0  }
0xa2: {  	[tilespmem:s12+$0x0] =	vst v0  }
0xa3: {  	[tilespmem:s12+$0x10] =	vst v0  }
0xa4: {  	[tilespmem:s12+$0x20] =	vst v0  }
0xa5: {  	[tilespmem:s12+$0x30] =	vst v0  }
0xa6: {  	[tilespmem:s12+$0x40] =	vst v0  }
0xa7: {  	[tilespmem:s12+$0x50] =	vst v0  }
0xa8: {  	[tilespmem:s12+$0x60] =	vst v0  }
0xa9: {  	[tilespmem:s12+$0x70] =	vst v0  }
0xaa: {  	[tilespmem:s12+$0x400] =	vst v0  }
0xab: {  	[tilespmem:s12+$0x410] =	vst v0  }
0xac: {  	[tilespmem:s12+$0x420] =	vst v0  }
0xad: {  	[tilespmem:s12+$0x430] =	vst v0  }
0xae: {  	[tilespmem:s12+$0x440] =	vst v0  }
0xaf: {  	[tilespmem:s12+$0x450] =	vst v0  }
0xb0: {  	[tilespmem:s12+$0x460] =	vst v0  }
0xb1: {  	[tilespmem:s12+$0x470] =	vst v0  }
0xb2: {  	[tilespmem:s12+$0x800] =	vst v0  }
0xb3: {  	[tilespmem:s12+$0x810] =	vst v0  }
0xb4: {  	[tilespmem:s12+$0x820] =	vst v0  }
0xb5: {  	[tilespmem:s12+$0x830] =	vst v0  }
0xb6: {  	[tilespmem:s12+$0x840] =	vst v0  }
0xb7: {  	[tilespmem:s12+$0x850] =	vst v0  }
0xb8: {  	[tilespmem:s12+$0x860] =	vst v0  }
0xb9: {  	[tilespmem:s12+$0x870] =	vst v0  }
0xba: {  	[tilespmem:s12+$0xC00] =	vst v0  }
0xbb: {  	[tilespmem:s12+$0xC10] =	vst v0  }
0xbc: {  	[tilespmem:s12+$0xC20] =	vst v0  }
0xbd: {  	[tilespmem:s12+$0xC30] =	vst v0  }
0xbe: {  	[tilespmem:s12+$0xC40] =	vst v0  }
0xbf: {  	[tilespmem:s12+$0xC50] =	vst v0  }
0xc0: {  	[tilespmem:s12+$0xC60] =	vst v0  }
0xc1: {  	[tilespmem:s12+$0xC70] =	vst v0  }
0xc2: {  	[tilespmem:s12+$0x1000] =	vst v0  }
0xc3: {  	[tilespmem:s12+$0x1010] =	vst v0  }
0xc4: {  	[tilespmem:s12+$0x1020] =	vst v0  }
0xc5: {  	[tilespmem:s12+$0x1030] =	vst v0  }
0xc6: {  	[tilespmem:s12+$0x1040] =	vst v0  }
0xc7: {  	[tilespmem:s12+$0x1050] =	vst v0  }
0xc8: {  	[tilespmem:s12+$0x1060] =	vst v0  }
0xc9: {  	[tilespmem:s12+$0x1070] =	vst v0  }
0xca: {  	[tilespmem:s12+$0x1400] =	vst v0  }
0xcb: {  	[tilespmem:s12+$0x1410] =	vst v0  }
0xcc: {  	[tilespmem:s12+$0x1420] =	vst v0  }
0xcd: {  	[tilespmem:s12+$0x1430] =	vst v0  }
0xce: {  	[tilespmem:s12+$0x1440] =	vst v0  }
0xcf: {  	[tilespmem:s12+$0x1450] =	vst v0  }
0xd0: {  	[tilespmem:s12+$0x1460] =	vst v0  }
0xd1: {  	[tilespmem:s12+$0x1470] =	vst v0  }
0xd2: {  	[tilespmem:s12+$0x1800] =	vst v0  }
0xd3: {  	[tilespmem:s12+$0x1810] =	vst v0  }
0xd4: {  	[tilespmem:s12+$0x1820] =	vst v0  }
0xd5: {  	[tilespmem:s12+$0x1830] =	vst v0  }
0xd6: {  	[tilespmem:s12+$0x1840] =	vst v0  }
0xd7: {  	[tilespmem:s12+$0x1850] =	vst v0  }
0xd8: {  	[tilespmem:s12+$0x1860] =	vst v0  }
0xd9: {  	[tilespmem:s12+$0x1870] =	vst v0  }
0xda: {  	[tilespmem:s12+$0x1C00] =	vst v0  }
0xdb: {  	[tilespmem:s12+$0x1C10] =	vst v0  }
0xdc: {  	[tilespmem:s12+$0x1C20] =	vst v0  }
0xdd: {  	[tilespmem:s12+$0x1C30] =	vst v0  }
0xde: {  	[tilespmem:s12+$0x1C40] =	vst v0  }
0xdf: {  	s11 =	simm.s32 $0x0;
	s13 =	smov.u32 s5;
	[tilespmem:s12+$0x1C58] =	vst v0;
	s12 =	simm.s32 $0x18000  }
.LBB2_4:
0xe0: {  	s14 =	sand.u32 $0x1, s11  }
0xe1: {  	p0 =	slt.u32 s11, $0x2;
	s15 =	smul.u32 $0x30000, s14;
	s14 =	sadd.s32 $0x1, s14  }
0xe2: {  	_ =	swait.ge @!p0 [sflag:s14], $0xC000  }
0xe3: {  	[sflag:s14] =	ssyncset.done @!p0 $0x0  }
0xe4: {  	[sflag:s14] =	ssyncadd.s32 @!p0 $0xFFFF4000  }
0xe5: {  	v5 =	vld @!p0 [tilespmem:s12+$0xFFFFFFB0];
	_ =	sdelay $0x4  }
0xe6: {  	v6 =	vshll.u32 @!p0 v5, $0x3  }
0xe7: {  	v5 =	vand.u32 @!p0 $0x7F, v5;
	v6 =	vand.u32 @!p0 $0xFFFFFC00, v6  }
0xe8: {  	v5 =	vor.u32 @!p0 v5, v6  }
0xe9: {  	v5 =	vadd.s32 @!p0 v1, v5;
	_ =	sdelay $0x3  }
0xea: {  	s15 =	sshrl.u32 s15, $0x2  }
0xeb: {  	[tilespmem:v5+s15+$0x0] =	vst.idx.msk @!p0 $0xffff, v0  }
0xec: {  	v5 =	vld @!p0 [tilespmem:s12+$0xFFFFFFC0];
	_ =	sdelay $0x4  }
0xed: {  	v6 =	vshll.u32 @!p0 v5, $0x3  }
0xee: {  	v5 =	vand.u32 @!p0 $0x7F, v5;
	v6 =	vand.u32 @!p0 $0xFFFFFC00, v6  }
0xef: {  	v5 =	vor.u32 @!p0 v5, v6  }
0xf0: {  	v5 =	vadd.s32 @!p0 v2, v5;
	_ =	sdelay $0x4  }
0xf1: {  	[tilespmem:v5+s15+$0x0] =	vst.idx.msk @!p0 $0xffff, v0  }
0xf2: {  	v5 =	vld @!p0 [tilespmem:s12+$0xFFFFFFD0];
	_ =	sdelay $0x4  }
0xf3: {  	v6 =	vshll.u32 @!p0 v5, $0x3  }
0xf4: {  	v5 =	vand.u32 @!p0 $0x7F, v5;
	v6 =	vand.u32 @!p0 $0xFFFFFC00, v6  }
0xf5: {  	v5 =	vor.u32 @!p0 v5, v6  }
0xf6: {  	v5 =	vadd.s32 @!p0 v3, v5;
	_ =	sdelay $0x4  }
0xf7: {  	[tilespmem:v5+s15+$0x0] =	vst.idx.msk @!p0 $0xff, v0  }
0xf8: {  	v5 =	vld [tilespmem:s12+$0x0];
	_ =	sdelay $0x4  }
0xf9: {  	v6 =	vshll.u32 v5, $0x3  }
0xfa: {  	v5 =	vand.u32 $0x7F, v5;
	v6 =	vand.u32 $0xFFFFFC00, v6  }
0xfb: {  	v5 =	vor.u32 v5, v6  }
0xfc: {  	v5 =	vadd.s32 v1, v5;
	_ =	sdelay $0x4  }
0xfd: {  	[tilespmem:v5+s15+$0x0] =	vst.idx.msk $0xffff, v4  }
0xfe: {  	v5 =	vld [tilespmem:s12+$0x10];
	_ =	sdelay $0x4  }
0xff: {  	v6 =	vshll.u32 v5, $0x3  }
0x100: {  	v5 =	vand.u32 $0x7F, v5;
	v6 =	vand.u32 $0xFFFFFC00, v6  }
0x101: {  	v5 =	vor.u32 v5, v6  }
0x102: {  	v5 =	vadd.s32 v2, v5;
	_ =	sdelay $0x4  }
0x103: {  	[tilespmem:v5+s15+$0x0] =	vst.idx.msk $0xffff, v4  }
0x104: {  	v5 =	vld [tilespmem:s12+$0x20];
	_ =	sdelay $0x4  }
0x105: {  	v6 =	vshll.u32 v5, $0x3  }
0x106: {  	v5 =	vand.u32 $0x7F, v5;
	v6 =	vand.u32 $0xFFFFFC00, v6  }
0x107: {  	v5 =	vor.u32 v5, v6  }
0x108: {  	v5 =	vadd.s32 v3, v5  }
0x109: {  	s11 =	sadd.s32 $0x1, s11  }
0x10a: {  	p0 =	sne.s32 s11, $0x40  }
.Ltmp1:
0x10b: {  	_ = 	snop;
	(pc) =	sbr.rel @p0 .LBB2_4-.Ltmp1, $4  }
0x10c: {  	_ = 	snop  }
0x10d: {  	[tilespmem:v5+s15+$0x0] =	vst.idx.msk $0xff, v4  }
0x10e: {  	[hbm4b:s13+s2] =	stream.linear.scatter [tilespmem:s15], [sflag:s14], $0xC000, $0x38;
	[tilespmem:$0x18A00] =	vst v63  }
0x10f: {  	s12 =	sadd.s32 $0x28, s12;
	s13 =	sadd.s32 $0x1800, s13  }
0x110: {  	s10 =	sadd.s32 $0x1, s10  }
0x111: {  	_ =	swait.ge [sflag:s8], $0xC000;
	p0 =	sne.s32 s10, s4  }
.Ltmp2:
0x112: {  	[sflag:s8] =	ssyncset.done $0x0;
	(pc) =	sbr.rel @p0 .LBB2_1-.Ltmp2, $4  }
0x113: {  	[sflag:s8] =	ssyncadd.s32 $0xFFFF4000  }
0x114: {  	_ =	swait.ge [sflag:s9], $0xC000  }
0x115: {  	[sflag:s9] =	ssyncset.done $0x0  }
0x116: {  	[sflag:s9] =	ssyncadd.s32 $0xFFFF4000  }
0x117: {  	_ =	sfence.sel $0x180000  }
0x118: {  	[bflag:$0x0] =	sbarrier.arrive $0xFFFF  }
0x119: {  	p0 =	sne.s32 s0, $0x0;
	_ =	strace $0x90000047  }
0x11a: {  	s0 =	sadd.s32 @!p0 $0x100000, s1;
	[bflag:$0x2] =	sbarrier.arrive $0xFFFF  }
0x11b: {  	[sflag:s0] =	ssyncadd.tile.s32 @!p0 $0x1;
	_ =	shalt  }
.Lfunc_end2:
_tile_overlayer_lowered:
.L_overlay_start_2:
0x11c: {  	(tag) =	ssettag $0x2  }
0x11d: {  	s0 =	rddreg [dreg:$0x0];
	s2 =	stileid.u32  }
0x11e: {  	s1 =	rddreg [dreg:$0x1];
	p0 =	sne.s32 s2, $0x0  }
0x11f: {  	s3 =	rddreg [dreg:$0x2];
	[bflag:$0x3] =	sbarrier.arrive $0xFFFF;
	s2 =	simm.s32 @!p0 $0x1C03  }
0x120: {  	[timem:s3], [sflag:s2] =	dma.local @!p0 [hbm:s0], s1  }
0x121: {  	s0 =	simm.s32 @!p0 $0x3  }
0x122: {  	_ =	swait.ge @!p0 [sflag:s0], s1  }
0x123: {  	s1 =	ssub.s32 @!p0 $0x0, s1;
	[sflag:s0] =	ssyncset.done @!p0 $0x0  }
0x124: {  	[sflag:s0] =	ssyncadd.s32 @!p0 s1  }
0x125: {  	[bflag:$0x3] =	sbarrier.arrive $0xFFFF  }
0x126: {  	_ =	shalt  }

</sc_bundles>
